<compile_context>
chip_gen: v7x
topology: tpu7x:2x2x1
jax: 0.10.2.dev20260603
libtpu: 0.0.44.dev20260713+nightly
codegen_flags: <defaults>
</compile_context>

<pallas_src>
import functools
import math

import jax
import jax.numpy as jnp
from jax import lax
from jax.experimental import pallas as pl
from jax.experimental.pallas import tpu as pltpu
from jax.experimental.pallas import tpu_sc as plsc

D_MODEL = 64
SCALE = math.sqrt(D_MODEL)
NBUF = 2


@functools.lru_cache(maxsize=None)
def _build_lookup(b: int, s: int, d: int):
    info = plsc.get_sparse_core_info()
    nc, ns = info.num_cores, info.num_subcores
    nw = nc * ns
    assert b % nw == 0 and s % 8 == 0
    b_per_w = b // nw
    n_per_w = b_per_w * s
    d2 = 2 * d

    mesh = plsc.VectorSubcoreMesh(core_axis_name="c", subcore_axis_name="s")

    @functools.partial(
        pl.kernel,
        mesh=mesh,
        out_type=jax.ShapeDtypeStruct((b, s, d), jnp.float32),
        scratch_types=[
            pltpu.VMEM((n_per_w,), jnp.int32),
            pltpu.VMEM((n_per_w,), jnp.int32),
            pltpu.VMEM((NBUF, s, d2), jnp.float32),
            pltpu.VMEM((NBUF, s, d), jnp.float32),
            pltpu.SemaphoreType.DMA,
            pltpu.SemaphoreType.DMA,
        ],
        compiler_params=pltpu.CompilerParams(use_tc_tiling_on_sc=True),
    )
    def lookup(idx_hbm, pairs_hbm, out_hbm, idx_v, jv, buf, obuf, sem_g,
               sem_o):
        wid = lax.axis_index("s") * nc + lax.axis_index("c")
        b0 = wid * b_per_w
        pltpu.sync_copy(idx_hbm.at[pl.ds(wid * n_per_w, n_per_w)], idx_v)

        def pair_body(i, carry):
            sl = pl.ds(i * 16, 16)
            jv[sl] = lax.shift_right_logical(idx_v[sl], 1)
            return carry

        lax.fori_loop(0, n_per_w // 16, pair_body, 0)

        def gather(c, slot):
            return pltpu.make_async_copy(
                pairs_hbm.at[jv.at[pl.ds(c * s, s)]], buf.at[slot], sem_g)

        def put(c, slot):
            return pltpu.make_async_copy(
                obuf.at[slot], out_hbm.at[b0 + c], sem_o)

        for c in range(NBUF):
            gather(c, c).start()

        def chunk_body(c, carry):
            slot = lax.rem(c, NBUF)
            gather(c, slot).wait()

            @pl.when(c >= NBUF)
            def _():
                put(c - NBUF, slot).wait()

            def row_body(j16, c2):
                start = lax.min(j16 * 16, s - 16)
                bases = (idx_v[pl.ds(c * s + start, 16)] & 1) * d
                for dj in range(16):
                    j = start + dj
                    base = bases[dj]
                    for k in range(d // 16):
                        obuf[slot, j, pl.ds(k * 16, 16)] = (
                            buf[slot, j, pl.ds(base + k * 16, 16)] * SCALE)
                return c2

            lax.fori_loop(0, (s + 15) // 16, row_body, 0)

            @pl.when(c + NBUF < b_per_w)
            def _():
                gather(c + NBUF, slot).start()

            put(c, slot).start()
            return carry

        lax.fori_loop(0, b_per_w, chunk_body, 0)

        for c in range(b_per_w - NBUF, b_per_w):
            put(c, c % NBUF).wait()

    return lookup


def kernel(x, table):
    b, s = x.shape
    v, d = table.shape
    idx = x.reshape(b * s).astype(jnp.int32)
    pairs = table.reshape(v // 2, 2 * d)
    return _build_lookup(b, s, d)(idx, pairs)

# --- scband reference (transcript-rebuilt; emitter-appended) ---
"""Pipeline reference for scband-input-embedding-18013092839884 (READ-ONLY COPY).

The authoritative reference and input builder live on the scoring server;
editing this copy changes nothing except your own understanding.
"""

import math
import jax, jax.numpy as jnp
import numpy as np

D_MODEL = 64
V_SIZE = 1000000

def setup_inputs(seed: int = 0) -> dict:
    key = jax.random.key(seed)
    k1, k2 = jax.random.split(key)
    x = jax.random.randint(k1, (1024, 200), 0, V_SIZE, dtype=jnp.int64 if jax.config.jax_enable_x64 else jnp.int32)
    table = jax.random.normal(k2, (V_SIZE, D_MODEL), dtype=jnp.float32)
    return {"x": x, "table": table}

def reference(x, table):
    # nn.Embedding lookup followed by scaling by sqrt(d_model)
    emb = jnp.take(table, x, axis=0)
    return emb * math.sqrt(D_MODEL)

if __name__ == "__main__":
    import jax
    _d = setup_inputs()
    print(jax.jit(kernel)(*tuple(_d.values())))

</pallas_src>

<mosaic_0001>
#map = affine_map<(d0, d1) -> (0)>
#map1 = affine_map<(d0, d1) -> (0, 0)>
#map2 = affine_map<(d0, d1) -> (0, 0, 0)>
module attributes {stable_mosaic.version = 14 : i64} {
  func.func @lookup(%arg0: i32, %arg1: i32, %arg2: memref<204800xi32, #tpu.memory_space<hbm>>, %arg3: memref<500000x128xf32, #tpu.memory_space<hbm>>, %arg4: memref<1024x200x64xf32, #tpu.memory_space<hbm>>, %arg5: memref<6400xi32, #tpu.memory_space<vmem>>, %arg6: memref<6400xi32, #tpu.memory_space<vmem>>, %arg7: memref<2x200x128xf32, #tpu.memory_space<vmem>>, %arg8: memref<2x200x64xf32, #tpu.memory_space<vmem>>, %arg9: memref<!tpu.dma_semaphore, #tpu.memory_space<semaphore_mem>>, %arg10: memref<!tpu.dma_semaphore, #tpu.memory_space<semaphore_mem>>) attributes {dimension_semantics = [#tpu.dimension_semantics<core_parallel>, #tpu.dimension_semantics<subcore_parallel>], iteration_bounds = array<i64: 2, 16>, scalar_prefetch = 0 : i64, scratch_operands = 6 : i64, tpu.core_type = #tpu.core_type<sc_vector_subcore>, window_params = [{transform_indices = #map}, {transform_indices = #map1}, {transform_indices = #map2}]} {
    %mul3A = arith.constant 2 : i32
    %mul3A_0 = arith.muli %arg1, %mul3A : i32
    %add3A = arith.addi %mul3A_0, %arg0 : i32
    %mul3A_1 = arith.constant 32 : i32
    %mul3A_2 = arith.muli %add3A, %mul3A_1 : i32
    %mul3A_3 = arith.constant 6400 : i32
    %mul3A_4 = arith.muli %add3A, %mul3A_3 : i32
    "tpu.region"() ({
      %run_scoped3A = tpu.sem_alloc : memref<!tpu.dma_semaphore, #tpu.memory_space<semaphore_mem>>
      %dma_start3A_72 = tpu.memref_slice %arg2[%mul3A_4] : memref<204800xi32, #tpu.memory_space<hbm>> -> memref<6400xi32, #tpu.memory_space<hbm>>
      %dma_start3A_73 = tpu.memref_slice %arg2[%mul3A_4] : memref<204800xi32, #tpu.memory_space<hbm>> -> memref<6400xi32, #tpu.memory_space<hbm>>
      tpu.enqueue_dma source(%dma_start3A_73 : memref<6400xi32, #tpu.memory_space<hbm>>) target(%arg5 : memref<6400xi32, #tpu.memory_space<vmem>>) target_semaphore(%run_scoped3A : memref<!tpu.dma_semaphore, #tpu.memory_space<semaphore_mem>>)
      %dma_wait3A_74 = tpu.memref_slice %arg2[%mul3A_4] : memref<204800xi32, #tpu.memory_space<hbm>> -> memref<6400xi32, #tpu.memory_space<hbm>>
      %dma_wait3A_75 = tpu.memref_slice %arg2[%mul3A_4] : memref<204800xi32, #tpu.memory_space<hbm>> -> memref<6400xi32, #tpu.memory_space<hbm>>
      tpu.wait_dma2 semaphore(%run_scoped3A : memref<!tpu.dma_semaphore, #tpu.memory_space<semaphore_mem>>) src(%dma_wait3A_75 : memref<6400xi32, #tpu.memory_space<hbm>>) dst(%arg5 : memref<6400xi32, #tpu.memory_space<vmem>>)
      tpu.yield
    }) : () -> ()
    %scan3A = arith.constant 0 : i32
    %scan3A_5 = arith.constant 0 : i32
    %scan3A_6 = arith.constant 400 : i32
    %scan3A_7 = arith.addi %scan3A_5, %scan3A_6 : i32
    %scan3A_8 = arith.constant 1 : i32
    scf.for %scan3A_72 = %scan3A_5 to %scan3A_7 step %scan3A_8  : i32 {
      %mul3A_73 = arith.constant 16 : i32
      %mul3A_74 = arith.muli %scan3A_72, %mul3A_73 : i32
      %get3A = arith.index_cast %mul3A_74 : i32 to index
      %get3A_75 = tpu.vector_load %arg5[%get3A] {strides = array<i32>} : memref<6400xi32, #tpu.memory_space<vmem>>, vector<16xi32>,
      %get3A_76 = vector.shape_cast %get3A_75 : vector<16xi32> to vector<16xi32>
      %shift_right_logical3A = arith.constant 1 : i32
      %shift_right_logical3A_77 = vector.broadcast %shift_right_logical3A : i32 to vector<16xi32>
      %shift_right_logical3A_78 = arith.shrui %get3A_76, %shift_right_logical3A_77 : vector<16xi32>
      %swap3A = arith.index_cast %mul3A_74 : i32 to index
      %swap3A_79 = tpu.vector_load %arg6[%swap3A] {strides = array<i32>} : memref<6400xi32, #tpu.memory_space<vmem>>, vector<16xi32>,
      %swap3A_80 = vector.shape_cast %swap3A_79 : vector<16xi32> to vector<16xi32>
      %swap3A_81 = vector.shape_cast %shift_right_logical3A_78 : vector<16xi32> to vector<16xi32>
      tpu.vector_store %arg6[%swap3A], %swap3A_81 {strides = array<i32>} : memref<6400xi32, #tpu.memory_space<vmem>>, vector<16xi32>,
    }
    %scan3A_9 = arith.constant 400 : i32
    %dma_start3A = arith.constant 0 : i32
    %dma_start3A_10 = arith.constant 0 : i32
    %dma_start3A_11 = arith.constant 0 : i32
    %dma_start3A_12 = tpu.memref_slice %arg7[%dma_start3A, %dma_start3A_10, %dma_start3A_11] : memref<2x200x128xf32, #tpu.memory_space<vmem>> -> memref<1x200x128xf32, #tpu.memory_space<vmem>>
    %dma_start3A_13 = tpu.memref_squeeze %dma_start3A_12 : memref<1x200x128xf32, #tpu.memory_space<vmem>> -> memref<200x128xf32, #tpu.memory_space<vmem>>
    %dma_start3A_14 = arith.constant 0 : i32
    %dma_start3A_15 = tpu.memref_slice %arg6[%dma_start3A_14] : memref<6400xi32, #tpu.memory_space<vmem>> -> memref<200xi32, #tpu.memory_space<vmem>>
    %dma_start3A_16 = arith.constant 0 : i32
    %dma_start3A_17 = arith.constant 0 : i32
    %dma_start3A_18 = tpu.memref_slice %arg3[%dma_start3A_16, %dma_start3A_17] : memref<500000x128xf32, #tpu.memory_space<hbm>> -> memref<500000x128xf32, #tpu.memory_space<hbm>>
    tpu.enqueue_indirect_dma source(%dma_start3A_18 : memref<500000x128xf32, #tpu.memory_space<hbm>>) target(%dma_start3A_13 : memref<200x128xf32, #tpu.memory_space<vmem>>) offsets(%dma_start3A_15 : memref<200xi32, #tpu.memory_space<vmem>>) semaphore(%arg9 : memref<!tpu.dma_semaphore, #tpu.memory_space<semaphore_mem>>)
    %dma_start3A_19 = arith.constant 1 : i32
    %dma_start3A_20 = arith.constant 0 : i32
    %dma_start3A_21 = arith.constant 0 : i32
    %dma_start3A_22 = tpu.memref_slice %arg7[%dma_start3A_19, %dma_start3A_20, %dma_start3A_21] : memref<2x200x128xf32, #tpu.memory_space<vmem>> -> memref<1x200x128xf32, #tpu.memory_space<vmem>>
    %dma_start3A_23 = tpu.memref_squeeze %dma_start3A_22 : memref<1x200x128xf32, #tpu.memory_space<vmem>> -> memref<200x128xf32, #tpu.memory_space<vmem>>
    %dma_start3A_24 = arith.constant 200 : i32
    %dma_start3A_25 = tpu.memref_slice %arg6[%dma_start3A_24] : memref<6400xi32, #tpu.memory_space<vmem>> -> memref<200xi32, #tpu.memory_space<vmem>>
    %dma_start3A_26 = arith.constant 0 : i32
    %dma_start3A_27 = arith.constant 0 : i32
    %dma_start3A_28 = tpu.memref_slice %arg3[%dma_start3A_26, %dma_start3A_27] : memref<500000x128xf32, #tpu.memory_space<hbm>> -> memref<500000x128xf32, #tpu.memory_space<hbm>>
    tpu.enqueue_indirect_dma source(%dma_start3A_28 : memref<500000x128xf32, #tpu.memory_space<hbm>>) target(%dma_start3A_23 : memref<200x128xf32, #tpu.memory_space<vmem>>) offsets(%dma_start3A_25 : memref<200xi32, #tpu.memory_space<vmem>>) semaphore(%arg9 : memref<!tpu.dma_semaphore, #tpu.memory_space<semaphore_mem>>)
    %scan3A_29 = arith.constant 0 : i32
    %scan3A_30 = arith.constant 0 : i32
    %scan3A_31 = arith.constant 32 : i32
    %scan3A_32 = arith.addi %scan3A_30, %scan3A_31 : i32
    %scan3A_33 = arith.constant 1 : i32
    scf.for %scan3A_72 = %scan3A_30 to %scan3A_32 step %scan3A_33  : i32 {
      %rem3A = arith.constant 2 : i32
      %rem3A_73 = arith.remsi %scan3A_72, %rem3A : i32
      %mul3A_74 = arith.constant 200 : i32
      %mul3A_75 = arith.muli %scan3A_72, %mul3A_74 : i32
      %dma_wait3A_76 = arith.constant 0 : i32
      %dma_wait3A_77 = arith.constant 0 : i32
      %dma_wait3A_78 = tpu.memref_slice %arg7[%rem3A_73, %dma_wait3A_76, %dma_wait3A_77] : memref<2x200x128xf32, #tpu.memory_space<vmem>> -> memref<1x200x128xf32, #tpu.memory_space<vmem>>
      %dma_wait3A_79 = tpu.memref_squeeze %dma_wait3A_78 : memref<1x200x128xf32, #tpu.memory_space<vmem>> -> memref<200x128xf32, #tpu.memory_space<vmem>>
      %dma_wait3A_80 = tpu.memref_slice %arg6[%mul3A_75] : memref<6400xi32, #tpu.memory_space<vmem>> -> memref<200xi32, #tpu.memory_space<vmem>>
      %dma_wait3A_81 = arith.constant 0 : i32
      %dma_wait3A_82 = arith.constant 0 : i32
      %dma_wait3A_83 = tpu.memref_slice %arg3[%dma_wait3A_81, %dma_wait3A_82] : memref<500000x128xf32, #tpu.memory_space<hbm>> -> memref<500000x128xf32, #tpu.memory_space<hbm>>
      tpu.wait_indirect_dma semaphore(%arg9 : memref<!tpu.dma_semaphore, #tpu.memory_space<semaphore_mem>>) src(%dma_wait3A_83 : memref<500000x128xf32, #tpu.memory_space<hbm>>) dst(%dma_wait3A_79 : memref<200x128xf32, #tpu.memory_space<vmem>>)
      %ge3A = arith.constant 2 : i32
      %ge3A_84 = arith.cmpi sge, %scan3A_72, %ge3A : i32
      %convert_element_type3A = arith.extui %ge3A_84 : i1 to i32
      %cond3A = arith.constant 0 : i32
      %cond3A_85 = arith.cmpi ne, %convert_element_type3A, %cond3A : i32
      scf.if %cond3A_85 {
        %sub3A = arith.constant 2 : i32
        %sub3A_115 = arith.subi %scan3A_72, %sub3A : i32
        %add3A_116 = arith.addi %mul3A_2, %sub3A_115 : i32
        %dma_wait3A_117 = arith.constant 0 : i32
        %dma_wait3A_118 = arith.constant 0 : i32
        %dma_wait3A_119 = tpu.memref_slice %arg8[%rem3A_73, %dma_wait3A_117, %dma_wait3A_118] : memref<2x200x64xf32, #tpu.memory_space<vmem>> -> memref<1x200x64xf32, #tpu.memory_space<vmem>>
        %dma_wait3A_120 = tpu.memref_squeeze %dma_wait3A_119 : memref<1x200x64xf32, #tpu.memory_space<vmem>> -> memref<200x64xf32, #tpu.memory_space<vmem>>
        %dma_wait3A_121 = arith.constant 0 : i32
        %dma_wait3A_122 = arith.constant 0 : i32
        %dma_wait3A_123 = tpu.memref_slice %arg4[%add3A_116, %dma_wait3A_121, %dma_wait3A_122] : memref<1024x200x64xf32, #tpu.memory_space<hbm>> -> memref<1x200x64xf32, #tpu.memory_space<hbm>>
        %dma_wait3A_124 = tpu.memref_squeeze %dma_wait3A_123 : memref<1x200x64xf32, #tpu.memory_space<hbm>> -> memref<200x64xf32, #tpu.memory_space<hbm>>
        %dma_wait3A_125 = arith.constant 0 : i32
        %dma_wait3A_126 = arith.constant 0 : i32
        %dma_wait3A_127 = tpu.memref_slice %arg4[%add3A_116, %dma_wait3A_125, %dma_wait3A_126] : memref<1024x200x64xf32, #tpu.memory_space<hbm>> -> memref<1x200x64xf32, #tpu.memory_space<hbm>>
        %dma_wait3A_128 = tpu.memref_squeeze %dma_wait3A_127 : memref<1x200x64xf32, #tpu.memory_space<hbm>> -> memref<200x64xf32, #tpu.memory_space<hbm>>
        %dma_wait3A_129 = arith.constant 0 : i32
        %dma_wait3A_130 = arith.constant 0 : i32
        %dma_wait3A_131 = tpu.memref_slice %arg8[%rem3A_73, %dma_wait3A_129, %dma_wait3A_130] : memref<2x200x64xf32, #tpu.memory_space<vmem>> -> memref<1x200x64xf32, #tpu.memory_space<vmem>>
        %dma_wait3A_132 = tpu.memref_squeeze %dma_wait3A_131 : memref<1x200x64xf32, #tpu.memory_space<vmem>> -> memref<200x64xf32, #tpu.memory_space<vmem>>
        tpu.wait_dma2 semaphore(%arg10 : memref<!tpu.dma_semaphore, #tpu.memory_space<semaphore_mem>>) src(%dma_wait3A_132 : memref<200x64xf32, #tpu.memory_space<vmem>>) dst(%dma_wait3A_128 : memref<200x64xf32, #tpu.memory_space<hbm>>)
      } else {
      }
      %scan3A_86 = arith.constant 0 : i32
      %scan3A_87 = arith.constant 0 : i32
      %scan3A_88 = arith.constant 13 : i32
      %scan3A_89 = arith.addi %scan3A_87, %scan3A_88 : i32
      %scan3A_90 = arith.constant 1 : i32
      scf.for %scan3A_115 = %scan3A_87 to %scan3A_89 step %scan3A_90  : i32 {
        %mul3A_116 = arith.constant 16 : i32
        %mul3A_117 = arith.muli %scan3A_115, %mul3A_116 : i32
        %min3A = arith.constant 184 : i32
        %min3A_118 = arith.minsi %mul3A_117, %min3A : i32
        %mul3A_119 = arith.constant 200 : i32
        %mul3A_120 = arith.muli %scan3A_72, %mul3A_119 : i32
        %add3A_121 = arith.addi %mul3A_120, %min3A_118 : i32
        %get3A = arith.index_cast %add3A_121 : i32 to index
        %get3A_122 = tpu.vector_load %arg5[%get3A] {strides = array<i32>} : memref<6400xi32, #tpu.memory_space<vmem>>, vector<16xi32>,
        %get3A_123 = vector.shape_cast %get3A_122 : vector<16xi32> to vector<16xi32>
        %and3A = arith.constant 1 : i32
        %and3A_124 = vector.broadcast %and3A : i32 to vector<16xi32>
        %and3A_125 = arith.andi %get3A_123, %and3A_124 : vector<16xi32>
        %mul3A_126 = arith.constant 64 : i32
        %mul3A_127 = vector.broadcast %mul3A_126 : i32 to vector<16xi32>
        %mul3A_128 = arith.muli %and3A_125, %mul3A_127 : vector<16xi32>
        %add3A_129 = arith.constant 0 : i32
        %add3A_130 = arith.addi %min3A_118, %add3A_129 : i32
        %slice3A = vector.extract_strided_slice %mul3A_128 {offsets = [0], sizes = [1], strides = [1]} : vector<16xi32> to vector<1xi32>
        %squeeze3A = vector.extract %slice3A[0] : i32 from vector<1xi32>
        %add3A_131 = arith.constant 0 : i32
        %add3A_132 = arith.addi %squeeze3A, %add3A_131 : i32
        %get3A_133 = arith.index_cast %rem3A_73 : i32 to index
        %get3A_134 = arith.index_cast %add3A_130 : i32 to index
        %get3A_135 = arith.index_cast %add3A_132 : i32 to index
        %get3A_136 = tpu.vector_load %arg7[%get3A_133, %get3A_134, %get3A_135] {strides = array<i32>} : memref<2x200x128xf32, #tpu.memory_space<vmem>>, vector<1x1x16xf32>,
        %get3A_137 = vector.shape_cast %get3A_136 : vector<1x1x16xf32> to vector<16xf32>
        %mul3A_138 = arith.constant 8.000000e+00 : f32
        %mul3A_139 = vector.broadcast %mul3A_138 : f32 to vector<16xf32>
        %mul3A_140 = arith.mulf %get3A_137, %mul3A_139 : vector<16xf32>
        %swap3A = arith.index_cast %rem3A_73 : i32 to index
        %swap3A_141 = arith.index_cast %add3A_130 : i32 to index
        %swap3A_142 = arith.constant 0 : index
        %swap3A_143 = tpu.vector_load %arg8[%swap3A, %swap3A_141, %swap3A_142] {strides = array<i32>} : memref<2x200x64xf32, #tpu.memory_space<vmem>>, vector<1x1x16xf32>,
        %swap3A_144 = vector.shape_cast %swap3A_143 : vector<1x1x16xf32> to vector<16xf32>
        %swap3A_145 = vector.shape_cast %mul3A_140 : vector<16xf32> to vector<1x1x16xf32>
        tpu.vector_store %arg8[%swap3A, %swap3A_141, %swap3A_142], %swap3A_145 {strides = array<i32>} : memref<2x200x64xf32, #tpu.memory_space<vmem>>, vector<1x1x16xf32>,
        %add3A_146 = arith.constant 16 : i32
        %add3A_147 = arith.addi %squeeze3A, %add3A_146 : i32
        %get3A_148 = arith.index_cast %rem3A_73 : i32 to index
        %get3A_149 = arith.index_cast %add3A_130 : i32 to index
        %get3A_150 = arith.index_cast %add3A_147 : i32 to index
        %get3A_151 = tpu.vector_load %arg7[%get3A_148, %get3A_149, %get3A_150] {strides = array<i32>} : memref<2x200x128xf32, #tpu.memory_space<vmem>>, vector<1x1x16xf32>,
        %get3A_152 = vector.shape_cast %get3A_151 : vector<1x1x16xf32> to vector<16xf32>
        %mul3A_153 = arith.constant 8.000000e+00 : f32
        %mul3A_154 = vector.broadcast %mul3A_153 : f32 to vector<16xf32>
        %mul3A_155 = arith.mulf %get3A_152, %mul3A_154 : vector<16xf32>
        %swap3A_156 = arith.index_cast %rem3A_73 : i32 to index
        %swap3A_157 = arith.index_cast %add3A_130 : i32 to index
        %swap3A_158 = arith.constant 16 : index
        %swap3A_159 = tpu.vector_load %arg8[%swap3A_156, %swap3A_157, %swap3A_158] {strides = array<i32>} : memref<2x200x64xf32, #tpu.memory_space<vmem>>, vector<1x1x16xf32>,
        %swap3A_160 = vector.shape_cast %swap3A_159 : vector<1x1x16xf32> to vector<16xf32>
        %swap3A_161 = vector.shape_cast %mul3A_155 : vector<16xf32> to vector<1x1x16xf32>
        tpu.vector_store %arg8[%swap3A_156, %swap3A_157, %swap3A_158], %swap3A_161 {strides = array<i32>} : memref<2x200x64xf32, #tpu.memory_space<vmem>>, vector<1x1x16xf32>,
        %add3A_162 = arith.constant 32 : i32
        %add3A_163 = arith.addi %squeeze3A, %add3A_162 : i32
        %get3A_164 = arith.index_cast %rem3A_73 : i32 to index
        %get3A_165 = arith.index_cast %add3A_130 : i32 to index
        %get3A_166 = arith.index_cast %add3A_163 : i32 to index
        %get3A_167 = tpu.vector_load %arg7[%get3A_164, %get3A_165, %get3A_166] {strides = array<i32>} : memref<2x200x128xf32, #tpu.memory_space<vmem>>, vector<1x1x16xf32>,
        %get3A_168 = vector.shape_cast %get3A_167 : vector<1x1x16xf32> to vector<16xf32>
        %mul3A_169 = arith.constant 8.000000e+00 : f32
        %mul3A_170 = vector.broadcast %mul3A_169 : f32 to vector<16xf32>
        %mul3A_171 = arith.mulf %get3A_168, %mul3A_170 : vector<16xf32>
        %swap3A_172 = arith.index_cast %rem3A_73 : i32 to index
        %swap3A_173 = arith.index_cast %add3A_130 : i32 to index
        %swap3A_174 = arith.constant 32 : index
        %swap3A_175 = tpu.vector_load %arg8[%swap3A_172, %swap3A_173, %swap3A_174] {strides = array<i32>} : memref<2x200x64xf32, #tpu.memory_space<vmem>>, vector<1x1x16xf32>,
        %swap3A_176 = vector.shape_cast %swap3A_175 : vector<1x1x16xf32> to vector<16xf32>
        %swap3A_177 = vector.shape_cast %mul3A_171 : vector<16xf32> to vector<1x1x16xf32>
        tpu.vector_store %arg8[%swap3A_172, %swap3A_173, %swap3A_174], %swap3A_177 {strides = array<i32>} : memref<2x200x64xf32, #tpu.memory_space<vmem>>, vector<1x1x16xf32>,
        %add3A_178 = arith.constant 48 : i32
        %add3A_179 = arith.addi %squeeze3A, %add3A_178 : i32
        %get3A_180 = arith.index_cast %rem3A_73 : i32 to index
        %get3A_181 = arith.index_cast %add3A_130 : i32 to index
        %get3A_182 = arith.index_cast %add3A_179 : i32 to index
        %get3A_183 = tpu.vector_load %arg7[%get3A_180, %get3A_181, %get3A_182] {strides = array<i32>} : memref<2x200x128xf32, #tpu.memory_space<vmem>>, vector<1x1x16xf32>,
        %get3A_184 = vector.shape_cast %get3A_183 : vector<1x1x16xf32> to vector<16xf32>
        %mul3A_185 = arith.constant 8.000000e+00 : f32
        %mul3A_186 = vector.broadcast %mul3A_185 : f32 to vector<16xf32>
        %mul3A_187 = arith.mulf %get3A_184, %mul3A_186 : vector<16xf32>
        %swap3A_188 = arith.index_cast %rem3A_73 : i32 to index
        %swap3A_189 = arith.index_cast %add3A_130 : i32 to index
        %swap3A_190 = arith.constant 48 : index
        %swap3A_191 = tpu.vector_load %arg8[%swap3A_188, %swap3A_189, %swap3A_190] {strides = array<i32>} : memref<2x200x64xf32, #tpu.memory_space<vmem>>, vector<1x1x16xf32>,
        %swap3A_192 = vector.shape_cast %swap3A_191 : vector<1x1x16xf32> to vector<16xf32>
        %swap3A_193 = vector.shape_cast %mul3A_187 : vector<16xf32> to vector<1x1x16xf32>
        tpu.vector_store %arg8[%swap3A_188, %swap3A_189, %swap3A_190], %swap3A_193 {strides = array<i32>} : memref<2x200x64xf32, #tpu.memory_space<vmem>>, vector<1x1x16xf32>,
        %add3A_194 = arith.constant 1 : i32
        %add3A_195 = arith.addi %min3A_118, %add3A_194 : i32
        %slice3A_196 = vector.extract_strided_slice %mul3A_128 {offsets = [1], sizes = [1], strides = [1]} : vector<16xi32> to vector<1xi32>
        %squeeze3A_197 = vector.extract %slice3A_196[0] : i32 from vector<1xi32>
        %add3A_198 = arith.constant 0 : i32
        %add3A_199 = arith.addi %squeeze3A_197, %add3A_198 : i32
        %get3A_200 = arith.index_cast %rem3A_73 : i32 to index
        %get3A_201 = arith.index_cast %add3A_195 : i32 to index
        %get3A_202 = arith.index_cast %add3A_199 : i32 to index
        %get3A_203 = tpu.vector_load %arg7[%get3A_200, %get3A_201, %get3A_202] {strides = array<i32>} : memref<2x200x128xf32, #tpu.memory_space<vmem>>, vector<1x1x16xf32>,
        %get3A_204 = vector.shape_cast %get3A_203 : vector<1x1x16xf32> to vector<16xf32>
        %mul3A_205 = arith.constant 8.000000e+00 : f32
        %mul3A_206 = vector.broadcast %mul3A_205 : f32 to vector<16xf32>
        %mul3A_207 = arith.mulf %get3A_204, %mul3A_206 : vector<16xf32>
        %swap3A_208 = arith.index_cast %rem3A_73 : i32 to index
        %swap3A_209 = arith.index_cast %add3A_195 : i32 to index
        %swap3A_210 = arith.constant 0 : index
        %swap3A_211 = tpu.vector_load %arg8[%swap3A_208, %swap3A_209, %swap3A_210] {strides = array<i32>} : memref<2x200x64xf32, #tpu.memory_space<vmem>>, vector<1x1x16xf32>,
        %swap3A_212 = vector.shape_cast %swap3A_211 : vector<1x1x16xf32> to vector<16xf32>
        %swap3A_213 = vector.shape_cast %mul3A_207 : vector<16xf32> to vector<1x1x16xf32>
        tpu.vector_store %arg8[%swap3A_208, %swap3A_209, %swap3A_210], %swap3A_213 {strides = array<i32>} : memref<2x200x64xf32, #tpu.memory_space<vmem>>, vector<1x1x16xf32>,
        %add3A_214 = arith.constant 16 : i32
        %add3A_215 = arith.addi %squeeze3A_197, %add3A_214 : i32
        %get3A_216 = arith.index_cast %rem3A_73 : i32 to index
        %get3A_217 = arith.index_cast %add3A_195 : i32 to index
        %get3A_218 = arith.index_cast %add3A_215 : i32 to index
        %get3A_219 = tpu.vector_load %arg7[%get3A_216, %get3A_217, %get3A_218] {strides = array<i32>} : memref<2x200x128xf32, #tpu.memory_space<vmem>>, vector<1x1x16xf32>,
        %get3A_220 = vector.shape_cast %get3A_219 : vector<1x1x16xf32> to vector<16xf32>
        %mul3A_221 = arith.constant 8.000000e+00 : f32
        %mul3A_222 = vector.broadcast %mul3A_221 : f32 to vector<16xf32>
        %mul3A_223 = arith.mulf %get3A_220, %mul3A_222 : vector<16xf32>
        %swap3A_224 = arith.index_cast %rem3A_73 : i32 to index
        %swap3A_225 = arith.index_cast %add3A_195 : i32 to index
        %swap3A_226 = arith.constant 16 : index
        %swap3A_227 = tpu.vector_load %arg8[%swap3A_224, %swap3A_225, %swap3A_226] {strides = array<i32>} : memref<2x200x64xf32, #tpu.memory_space<vmem>>, vector<1x1x16xf32>,
        %swap3A_228 = vector.shape_cast %swap3A_227 : vector<1x1x16xf32> to vector<16xf32>
        %swap3A_229 = vector.shape_cast %mul3A_223 : vector<16xf32> to vector<1x1x16xf32>
        tpu.vector_store %arg8[%swap3A_224, %swap3A_225, %swap3A_226], %swap3A_229 {strides = array<i32>} : memref<2x200x64xf32, #tpu.memory_space<vmem>>, vector<1x1x16xf32>,
        %add3A_230 = arith.constant 32 : i32
        %add3A_231 = arith.addi %squeeze3A_197, %add3A_230 : i32
        %get3A_232 = arith.index_cast %rem3A_73 : i32 to index
        %get3A_233 = arith.index_cast %add3A_195 : i32 to index
        %get3A_234 = arith.index_cast %add3A_231 : i32 to index
        %get3A_235 = tpu.vector_load %arg7[%get3A_232, %get3A_233, %get3A_234] {strides = array<i32>} : memref<2x200x128xf32, #tpu.memory_space<vmem>>, vector<1x1x16xf32>,
        %get3A_236 = vector.shape_cast %get3A_235 : vector<1x1x16xf32> to vector<16xf32>
        %mul3A_237 = arith.constant 8.000000e+00 : f32
        %mul3A_238 = vector.broadcast %mul3A_237 : f32 to vector<16xf32>
        %mul3A_239 = arith.mulf %get3A_236, %mul3A_238 : vector<16xf32>
        %swap3A_240 = arith.index_cast %rem3A_73 : i32 to index
        %swap3A_241 = arith.index_cast %add3A_195 : i32 to index
        %swap3A_242 = arith.constant 32 : index
        %swap3A_243 = tpu.vector_load %arg8[%swap3A_240, %swap3A_241, %swap3A_242] {strides = array<i32>} : memref<2x200x64xf32, #tpu.memory_space<vmem>>, vector<1x1x16xf32>,
        %swap3A_244 = vector.shape_cast %swap3A_243 : vector<1x1x16xf32> to vector<16xf32>
        %swap3A_245 = vector.shape_cast %mul3A_239 : vector<16xf32> to vector<1x1x16xf32>
        tpu.vector_store %arg8[%swap3A_240, %swap3A_241, %swap3A_242], %swap3A_245 {strides = array<i32>} : memref<2x200x64xf32, #tpu.memory_space<vmem>>, vector<1x1x16xf32>,
        %add3A_246 = arith.constant 48 : i32
        %add3A_247 = arith.addi %squeeze3A_197, %add3A_246 : i32
        %get3A_248 = arith.index_cast %rem3A_73 : i32 to index
        %get3A_249 = arith.index_cast %add3A_195 : i32 to index
        %get3A_250 = arith.index_cast %add3A_247 : i32 to index
        %get3A_251 = tpu.vector_load %arg7[%get3A_248, %get3A_249, %get3A_250] {strides = array<i32>} : memref<2x200x128xf32, #tpu.memory_space<vmem>>, vector<1x1x16xf32>,
        %get3A_252 = vector.shape_cast %get3A_251 : vector<1x1x16xf32> to vector<16xf32>
        %mul3A_253 = arith.constant 8.000000e+00 : f32
        %mul3A_254 = vector.broadcast %mul3A_253 : f32 to vector<16xf32>
        %mul3A_255 = arith.mulf %get3A_252, %mul3A_254 : vector<16xf32>
        %swap3A_256 = arith.index_cast %rem3A_73 : i32 to index
        %swap3A_257 = arith.index_cast %add3A_195 : i32 to index
        %swap3A_258 = arith.constant 48 : index
        %swap3A_259 = tpu.vector_load %arg8[%swap3A_256, %swap3A_257, %swap3A_258] {strides = array<i32>} : memref<2x200x64xf32, #tpu.memory_space<vmem>>, vector<1x1x16xf32>,
        %swap3A_260 = vector.shape_cast %swap3A_259 : vector<1x1x16xf32> to vector<16xf32>
        %swap3A_261 = vector.shape_cast %mul3A_255 : vector<16xf32> to vector<1x1x16xf32>
        tpu.vector_store %arg8[%swap3A_256, %swap3A_257, %swap3A_258], %swap3A_261 {strides = array<i32>} : memref<2x200x64xf32, #tpu.memory_space<vmem>>, vector<1x1x16xf32>,
        %add3A_262 = arith.constant 2 : i32
        %add3A_263 = arith.addi %min3A_118, %add3A_262 : i32
        %slice3A_264 = vector.extract_strided_slice %mul3A_128 {offsets = [2], sizes = [1], strides = [1]} : vector<16xi32> to vector<1xi32>
        %squeeze3A_265 = vector.extract %slice3A_264[0] : i32 from vector<1xi32>
        %add3A_266 = arith.constant 0 : i32
        %add3A_267 = arith.addi %squeeze3A_265, %add3A_266 : i32
        %get3A_268 = arith.index_cast %rem3A_73 : i32 to index
        %get3A_269 = arith.index_cast %add3A_263 : i32 to index
        %get3A_270 = arith.index_cast %add3A_267 : i32 to index
        %get3A_271 = tpu.vector_load %arg7[%get3A_268, %get3A_269, %get3A_270] {strides = array<i32>} : memref<2x200x128xf32, #tpu.memory_space<vmem>>, vector<1x1x16xf32>,
        %get3A_272 = vector.shape_cast %get3A_271 : vector<1x1x16xf32> to vector<16xf32>
        %mul3A_273 = arith.constant 8.000000e+00 : f32
        %mul3A_274 = vector.broadcast %mul3A_273 : f32 to vector<16xf32>
        %mul3A_275 = arith.mulf %get3A_272, %mul3A_274 : vector<16xf32>
        %swap3A_276 = arith.index_cast %rem3A_73 : i32 to index
        %swap3A_277 = arith.index_cast %add3A_263 : i32 to index
        %swap3A_278 = arith.constant 0 : index
        %swap3A_279 = tpu.vector_load %arg8[%swap3A_276, %swap3A_277, %swap3A_278] {strides = array<i32>} : memref<2x200x64xf32, #tpu.memory_space<vmem>>, vector<1x1x16xf32>,
        %swap3A_280 = vector.shape_cast %swap3A_279 : vector<1x1x16xf32> to vector<16xf32>
        %swap3A_281 = vector.shape_cast %mul3A_275 : vector<16xf32> to vector<1x1x16xf32>
        tpu.vector_store %arg8[%swap3A_276, %swap3A_277, %swap3A_278], %swap3A_281 {strides = array<i32>} : memref<2x200x64xf32, #tpu.memory_space<vmem>>, vector<1x1x16xf32>,
        %add3A_282 = arith.constant 16 : i32
        %add3A_283 = arith.addi %squeeze3A_265, %add3A_282 : i32
        %get3A_284 = arith.index_cast %rem3A_73 : i32 to index
        %get3A_285 = arith.index_cast %add3A_263 : i32 to index
        %get3A_286 = arith.index_cast %add3A_283 : i32 to index
        %get3A_287 = tpu.vector_load %arg7[%get3A_284, %get3A_285, %get3A_286] {strides = array<i32>} : memref<2x200x128xf32, #tpu.memory_space<vmem>>, vector<1x1x16xf32>,
        %get3A_288 = vector.shape_cast %get3A_287 : vector<1x1x16xf32> to vector<16xf32>
        %mul3A_289 = arith.constant 8.000000e+00 : f32
        %mul3A_290 = vector.broadcast %mul3A_289 : f32 to vector<16xf32>
        %mul3A_291 = arith.mulf %get3A_288, %mul3A_290 : vector<16xf32>
        %swap3A_292 = arith.index_cast %rem3A_73 : i32 to index
        %swap3A_293 = arith.index_cast %add3A_263 : i32 to index
        %swap3A_294 = arith.constant 16 : index
        %swap3A_295 = tpu.vector_load %arg8[%swap3A_292, %swap3A_293, %swap3A_294] {strides = array<i32>} : memref<2x200x64xf32, #tpu.memory_space<vmem>>, vector<1x1x16xf32>,
        %swap3A_296 = vector.shape_cast %swap3A_295 : vector<1x1x16xf32> to vector<16xf32>
        %swap3A_297 = vector.shape_cast %mul3A_291 : vector<16xf32> to vector<1x1x16xf32>
        tpu.vector_store %arg8[%swap3A_292, %swap3A_293, %swap3A_294], %swap3A_297 {strides = array<i32>} : memref<2x200x64xf32, #tpu.memory_space<vmem>>, vector<1x1x16xf32>,
        %add3A_298 = arith.constant 32 : i32
        %add3A_299 = arith.addi %squeeze3A_265, %add3A_298 : i32
        %get3A_300 = arith.index_cast %rem3A_73 : i32 to index
        %get3A_301 = arith.index_cast %add3A_263 : i32 to index
        %get3A_302 = arith.index_cast %add3A_299 : i32 to index
        %get3A_303 = tpu.vector_load %arg7[%get3A_300, %get3A_301, %get3A_302] {strides = array<i32>} : memref<2x200x128xf32, #tpu.memory_space<vmem>>, vector<1x1x16xf32>,
        %get3A_304 = vector.shape_cast %get3A_303 : vector<1x1x16xf32> to vector<16xf32>
        %mul3A_305 = arith.constant 8.000000e+00 : f32
        %mul3A_306 = vector.broadcast %mul3A_305 : f32 to vector<16xf32>
        %mul3A_307 = arith.mulf %get3A_304, %mul3A_306 : vector<16xf32>
        %swap3A_308 = arith.index_cast %rem3A_73 : i32 to index
        %swap3A_309 = arith.index_cast %add3A_263 : i32 to index
        %swap3A_310 = arith.constant 32 : index
        %swap3A_311 = tpu.vector_load %arg8[%swap3A_308, %swap3A_309, %swap3A_310] {strides = array<i32>} : memref<2x200x64xf32, #tpu.memory_space<vmem>>, vector<1x1x16xf32>,
        %swap3A_312 = vector.shape_cast %swap3A_311 : vector<1x1x16xf32> to vector<16xf32>
        %swap3A_313 = vector.shape_cast %mul3A_307 : vector<16xf32> to vector<1x1x16xf32>
        tpu.vector_store %arg8[%swap3A_308, %swap3A_309, %swap3A_310], %swap3A_313 {strides = array<i32>} : memref<2x200x64xf32, #tpu.memory_space<vmem>>, vector<1x1x16xf32>,
        %add3A_314 = arith.constant 48 : i32
        %add3A_315 = arith.addi %squeeze3A_265, %add3A_314 : i32
        %get3A_316 = arith.index_cast %rem3A_73 : i32 to index
        %get3A_317 = arith.index_cast %add3A_263 : i32 to index
        %get3A_318 = arith.index_cast %add3A_315 : i32 to index
        %get3A_319 = tpu.vector_load %arg7[%get3A_316, %get3A_317, %get3A_318] {strides = array<i32>} : memref<2x200x128xf32, #tpu.memory_space<vmem>>, vector<1x1x16xf32>,
        %get3A_320 = vector.shape_cast %get3A_319 : vector<1x1x16xf32> to vector<16xf32>
        %mul3A_321 = arith.constant 8.000000e+00 : f32
        %mul3A_322 = vector.broadcast %mul3A_321 : f32 to vector<16xf32>
        %mul3A_323 = arith.mulf %get3A_320, %mul3A_322 : vector<16xf32>
        %swap3A_324 = arith.index_cast %rem3A_73 : i32 to index
        %swap3A_325 = arith.index_cast %add3A_263 : i32 to index
        %swap3A_326 = arith.constant 48 : index
        %swap3A_327 = tpu.vector_load %arg8[%swap3A_324, %swap3A_325, %swap3A_326] {strides = array<i32>} : memref<2x200x64xf32, #tpu.memory_space<vmem>>, vector<1x1x16xf32>,
        %swap3A_328 = vector.shape_cast %swap3A_327 : vector<1x1x16xf32> to vector<16xf32>
        %swap3A_329 = vector.shape_cast %mul3A_323 : vector<16xf32> to vector<1x1x16xf32>
        tpu.vector_store %arg8[%swap3A_324, %swap3A_325, %swap3A_326], %swap3A_329 {strides = array<i32>} : memref<2x200x64xf32, #tpu.memory_space<vmem>>, vector<1x1x16xf32>,
        %add3A_330 = arith.constant 3 : i32
        %add3A_331 = arith.addi %min3A_118, %add3A_330 : i32
        %slice3A_332 = vector.extract_strided_slice %mul3A_128 {offsets = [3], sizes = [1], strides = [1]} : vector<16xi32> to vector<1xi32>
        %squeeze3A_333 = vector.extract %slice3A_332[0] : i32 from vector<1xi32>
        %add3A_334 = arith.constant 0 : i32
        %add3A_335 = arith.addi %squeeze3A_333, %add3A_334 : i32
        %get3A_336 = arith.index_cast %rem3A_73 : i32 to index
        %get3A_337 = arith.index_cast %add3A_331 : i32 to index
        %get3A_338 = arith.index_cast %add3A_335 : i32 to index
        %get3A_339 = tpu.vector_load %arg7[%get3A_336, %get3A_337, %get3A_338] {strides = array<i32>} : memref<2x200x128xf32, #tpu.memory_space<vmem>>, vector<1x1x16xf32>,
        %get3A_340 = vector.shape_cast %get3A_339 : vector<1x1x16xf32> to vector<16xf32>
        %mul3A_341 = arith.constant 8.000000e+00 : f32
        %mul3A_342 = vector.broadcast %mul3A_341 : f32 to vector<16xf32>
        %mul3A_343 = arith.mulf %get3A_340, %mul3A_342 : vector<16xf32>
        %swap3A_344 = arith.index_cast %rem3A_73 : i32 to index
        %swap3A_345 = arith.index_cast %add3A_331 : i32 to index
        %swap3A_346 = arith.constant 0 : index
        %swap3A_347 = tpu.vector_load %arg8[%swap3A_344, %swap3A_345, %swap3A_346] {strides = array<i32>} : memref<2x200x64xf32, #tpu.memory_space<vmem>>, vector<1x1x16xf32>,
        %swap3A_348 = vector.shape_cast %swap3A_347 : vector<1x1x16xf32> to vector<16xf32>
        %swap3A_349 = vector.shape_cast %mul3A_343 : vector<16xf32> to vector<1x1x16xf32>
        tpu.vector_store %arg8[%swap3A_344, %swap3A_345, %swap3A_346], %swap3A_349 {strides = array<i32>} : memref<2x200x64xf32, #tpu.memory_space<vmem>>, vector<1x1x16xf32>,
        %add3A_350 = arith.constant 16 : i32
        %add3A_351 = arith.addi %squeeze3A_333, %add3A_350 : i32
        %get3A_352 = arith.index_cast %rem3A_73 : i32 to index
        %get3A_353 = arith.index_cast %add3A_331 : i32 to index
        %get3A_354 = arith.index_cast %add3A_351 : i32 to index
        %get3A_355 = tpu.vector_load %arg7[%get3A_352, %get3A_353, %get3A_354] {strides = array<i32>} : memref<2x200x128xf32, #tpu.memory_space<vmem>>, vector<1x1x16xf32>,
        %get3A_356 = vector.shape_cast %get3A_355 : vector<1x1x16xf32> to vector<16xf32>
        %mul3A_357 = arith.constant 8.000000e+00 : f32
        %mul3A_358 = vector.broadcast %mul3A_357 : f32 to vector<16xf32>
        %mul3A_359 = arith.mulf %get3A_356, %mul3A_358 : vector<16xf32>
        %swap3A_360 = arith.index_cast %rem3A_73 : i32 to index
        %swap3A_361 = arith.index_cast %add3A_331 : i32 to index
        %swap3A_362 = arith.constant 16 : index
        %swap3A_363 = tpu.vector_load %arg8[%swap3A_360, %swap3A_361, %swap3A_362] {strides = array<i32>} : memref<2x200x64xf32, #tpu.memory_space<vmem>>, vector<1x1x16xf32>,
        %swap3A_364 = vector.shape_cast %swap3A_363 : vector<1x1x16xf32> to vector<16xf32>
        %swap3A_365 = vector.shape_cast %mul3A_359 : vector<16xf32> to vector<1x1x16xf32>
        tpu.vector_store %arg8[%swap3A_360, %swap3A_361, %swap3A_362], %swap3A_365 {strides = array<i32>} : memref<2x200x64xf32, #tpu.memory_space<vmem>>, vector<1x1x16xf32>,
        %add3A_366 = arith.constant 32 : i32
        %add3A_367 = arith.addi %squeeze3A_333, %add3A_366 : i32
        %get3A_368 = arith.index_cast %rem3A_73 : i32 to index
        %get3A_369 = arith.index_cast %add3A_331 : i32 to index
        %get3A_370 = arith.index_cast %add3A_367 : i32 to index
        %get3A_371 = tpu.vector_load %arg7[%get3A_368, %get3A_369, %get3A_370] {strides = array<i32>} : memref<2x200x128xf32, #tpu.memory_space<vmem>>, vector<1x1x16xf32>,
        %get3A_372 = vector.shape_cast %get3A_371 : vector<1x1x16xf32> to vector<16xf32>
        %mul3A_373 = arith.constant 8.000000e+00 : f32
        %mul3A_374 = vector.broadcast %mul3A_373 : f32 to vector<16xf32>
        %mul3A_375 = arith.mulf %get3A_372, %mul3A_374 : vector<16xf32>
        %swap3A_376 = arith.index_cast %rem3A_73 : i32 to index
        %swap3A_377 = arith.index_cast %add3A_331 : i32 to index
        %swap3A_378 = arith.constant 32 : index
        %swap3A_379 = tpu.vector_load %arg8[%swap3A_376, %swap3A_377, %swap3A_378] {strides = array<i32>} : memref<2x200x64xf32, #tpu.memory_space<vmem>>, vector<1x1x16xf32>,
        %swap3A_380 = vector.shape_cast %swap3A_379 : vector<1x1x16xf32> to vector<16xf32>
        %swap3A_381 = vector.shape_cast %mul3A_375 : vector<16xf32> to vector<1x1x16xf32>
        tpu.vector_store %arg8[%swap3A_376, %swap3A_377, %swap3A_378], %swap3A_381 {strides = array<i32>} : memref<2x200x64xf32, #tpu.memory_space<vmem>>, vector<1x1x16xf32>,
        %add3A_382 = arith.constant 48 : i32
        %add3A_383 = arith.addi %squeeze3A_333, %add3A_382 : i32
        %get3A_384 = arith.index_cast %rem3A_73 : i32 to index
        %get3A_385 = arith.index_cast %add3A_331 : i32 to index
        %get3A_386 = arith.index_cast %add3A_383 : i32 to index
        %get3A_387 = tpu.vector_load %arg7[%get3A_384, %get3A_385, %get3A_386] {strides = array<i32>} : memref<2x200x128xf32, #tpu.memory_space<vmem>>, vector<1x1x16xf32>,
        %get3A_388 = vector.shape_cast %get3A_387 : vector<1x1x16xf32> to vector<16xf32>
        %mul3A_389 = arith.constant 8.000000e+00 : f32
        %mul3A_390 = vector.broadcast %mul3A_389 : f32 to vector<16xf32>
        %mul3A_391 = arith.mulf %get3A_388, %mul3A_390 : vector<16xf32>
        %swap3A_392 = arith.index_cast %rem3A_73 : i32 to index
        %swap3A_393 = arith.index_cast %add3A_331 : i32 to index
        %swap3A_394 = arith.constant 48 : index
        %swap3A_395 = tpu.vector_load %arg8[%swap3A_392, %swap3A_393, %swap3A_394] {strides = array<i32>} : memref<2x200x64xf32, #tpu.memory_space<vmem>>, vector<1x1x16xf32>,
        %swap3A_396 = vector.shape_cast %swap3A_395 : vector<1x1x16xf32> to vector<16xf32>
        %swap3A_397 = vector.shape_cast %mul3A_391 : vector<16xf32> to vector<1x1x16xf32>
        tpu.vector_store %arg8[%swap3A_392, %swap3A_393, %swap3A_394], %swap3A_397 {strides = array<i32>} : memref<2x200x64xf32, #tpu.memory_space<vmem>>, vector<1x1x16xf32>,
        %add3A_398 = arith.constant 4 : i32
        %add3A_399 = arith.addi %min3A_118, %add3A_398 : i32
        %slice3A_400 = vector.extract_strided_slice %mul3A_128 {offsets = [4], sizes = [1], strides = [1]} : vector<16xi32> to vector<1xi32>
        %squeeze3A_401 = vector.extract %slice3A_400[0] : i32 from vector<1xi32>
        %add3A_402 = arith.constant 0 : i32
        %add3A_403 = arith.addi %squeeze3A_401, %add3A_402 : i32
        %get3A_404 = arith.index_cast %rem3A_73 : i32 to index
        %get3A_405 = arith.index_cast %add3A_399 : i32 to index
        %get3A_406 = arith.index_cast %add3A_403 : i32 to index
        %get3A_407 = tpu.vector_load %arg7[%get3A_404, %get3A_405, %get3A_406] {strides = array<i32>} : memref<2x200x128xf32, #tpu.memory_space<vmem>>, vector<1x1x16xf32>,
        %get3A_408 = vector.shape_cast %get3A_407 : vector<1x1x16xf32> to vector<16xf32>
        %mul3A_409 = arith.constant 8.000000e+00 : f32
        %mul3A_410 = vector.broadcast %mul3A_409 : f32 to vector<16xf32>
        %mul3A_411 = arith.mulf %get3A_408, %mul3A_410 : vector<16xf32>
        %swap3A_412 = arith.index_cast %rem3A_73 : i32 to index
        %swap3A_413 = arith.index_cast %add3A_399 : i32 to index
        %swap3A_414 = arith.constant 0 : index
        %swap3A_415 = tpu.vector_load %arg8[%swap3A_412, %swap3A_413, %swap3A_414] {strides = array<i32>} : memref<2x200x64xf32, #tpu.memory_space<vmem>>, vector<1x1x16xf32>,
        %swap3A_416 = vector.shape_cast %swap3A_415 : vector<1x1x16xf32> to vector<16xf32>
        %swap3A_417 = vector.shape_cast %mul3A_411 : vector<16xf32> to vector<1x1x16xf32>
        tpu.vector_store %arg8[%swap3A_412, %swap3A_413, %swap3A_414], %swap3A_417 {strides = array<i32>} : memref<2x200x64xf32, #tpu.memory_space<vmem>>, vector<1x1x16xf32>,
        %add3A_418 = arith.constant 16 : i32
        %add3A_419 = arith.addi %squeeze3A_401, %add3A_418 : i32
        %get3A_420 = arith.index_cast %rem3A_73 : i32 to index
        %get3A_421 = arith.index_cast %add3A_399 : i32 to index
        %get3A_422 = arith.index_cast %add3A_419 : i32 to index
        %get3A_423 = tpu.vector_load %arg7[%get3A_420, %get3A_421, %get3A_422] {strides = array<i32>} : memref<2x200x128xf32, #tpu.memory_space<vmem>>, vector<1x1x16xf32>,
        %get3A_424 = vector.shape_cast %get3A_423 : vector<1x1x16xf32> to vector<16xf32>
        %mul3A_425 = arith.constant 8.000000e+00 : f32
        %mul3A_426 = vector.broadcast %mul3A_425 : f32 to vector<16xf32>
        %mul3A_427 = arith.mulf %get3A_424, %mul3A_426 : vector<16xf32>
        %swap3A_428 = arith.index_cast %rem3A_73 : i32 to index
        %swap3A_429 = arith.index_cast %add3A_399 : i32 to index
        %swap3A_430 = arith.constant 16 : index
        %swap3A_431 = tpu.vector_load %arg8[%swap3A_428, %swap3A_429, %swap3A_430] {strides = array<i32>} : memref<2x200x64xf32, #tpu.memory_space<vmem>>, vector<1x1x16xf32>,
        %swap3A_432 = vector.shape_cast %swap3A_431 : vector<1x1x16xf32> to vector<16xf32>
        %swap3A_433 = vector.shape_cast %mul3A_427 : vector<16xf32> to vector<1x1x16xf32>
        tpu.vector_store %arg8[%swap3A_428, %swap3A_429, %swap3A_430], %swap3A_433 {strides = array<i32>} : memref<2x200x64xf32, #tpu.memory_space<vmem>>, vector<1x1x16xf32>,
        %add3A_434 = arith.constant 32 : i32
        %add3A_435 = arith.addi %squeeze3A_401, %add3A_434 : i32
        %get3A_436 = arith.index_cast %rem3A_73 : i32 to index
        %get3A_437 = arith.index_cast %add3A_399 : i32 to index
        %get3A_438 = arith.index_cast %add3A_435 : i32 to index
        %get3A_439 = tpu.vector_load %arg7[%get3A_436, %get3A_437, %get3A_438] {strides = array<i32>} : memref<2x200x128xf32, #tpu.memory_space<vmem>>, vector<1x1x16xf32>,
        %get3A_440 = vector.shape_cast %get3A_439 : vector<1x1x16xf32> to vector<16xf32>
        %mul3A_441 = arith.constant 8.000000e+00 : f32
        %mul3A_442 = vector.broadcast %mul3A_441 : f32 to vector<16xf32>
        %mul3A_443 = arith.mulf %get3A_440, %mul3A_442 : vector<16xf32>
        %swap3A_444 = arith.index_cast %rem3A_73 : i32 to index
        %swap3A_445 = arith.index_cast %add3A_399 : i32 to index
        %swap3A_446 = arith.constant 32 : index
        %swap3A_447 = tpu.vector_load %arg8[%swap3A_444, %swap3A_445, %swap3A_446] {strides = array<i32>} : memref<2x200x64xf32, #tpu.memory_space<vmem>>, vector<1x1x16xf32>,
        %swap3A_448 = vector.shape_cast %swap3A_447 : vector<1x1x16xf32> to vector<16xf32>
        %swap3A_449 = vector.shape_cast %mul3A_443 : vector<16xf32> to vector<1x1x16xf32>
        tpu.vector_store %arg8[%swap3A_444, %swap3A_445, %swap3A_446], %swap3A_449 {strides = array<i32>} : memref<2x200x64xf32, #tpu.memory_space<vmem>>, vector<1x1x16xf32>,
        %add3A_450 = arith.constant 48 : i32
        %add3A_451 = arith.addi %squeeze3A_401, %add3A_450 : i32
        %get3A_452 = arith.index_cast %rem3A_73 : i32 to index
        %get3A_453 = arith.index_cast %add3A_399 : i32 to index
        %get3A_454 = arith.index_cast %add3A_451 : i32 to index
        %get3A_455 = tpu.vector_load %arg7[%get3A_452, %get3A_453, %get3A_454] {strides = array<i32>} : memref<2x200x128xf32, #tpu.memory_space<vmem>>, vector<1x1x16xf32>,
        %get3A_456 = vector.shape_cast %get3A_455 : vector<1x1x16xf32> to vector<16xf32>
        %mul3A_457 = arith.constant 8.000000e+00 : f32
        %mul3A_458 = vector.broadcast %mul3A_457 : f32 to vector<16xf32>
        %mul3A_459 = arith.mulf %get3A_456, %mul3A_458 : vector<16xf32>
        %swap3A_460 = arith.index_cast %rem3A_73 : i32 to index
        %swap3A_461 = arith.index_cast %add3A_399 : i32 to index
        %swap3A_462 = arith.constant 48 : index
        %swap3A_463 = tpu.vector_load %arg8[%swap3A_460, %swap3A_461, %swap3A_462] {strides = array<i32>} : memref<2x200x64xf32, #tpu.memory_space<vmem>>, vector<1x1x16xf32>,
        %swap3A_464 = vector.shape_cast %swap3A_463 : vector<1x1x16xf32> to vector<16xf32>
        %swap3A_465 = vector.shape_cast %mul3A_459 : vector<16xf32> to vector<1x1x16xf32>
        tpu.vector_store %arg8[%swap3A_460, %swap3A_461, %swap3A_462], %swap3A_465 {strides = array<i32>} : memref<2x200x64xf32, #tpu.memory_space<vmem>>, vector<1x1x16xf32>,
        %add3A_466 = arith.constant 5 : i32
        %add3A_467 = arith.addi %min3A_118, %add3A_466 : i32
        %slice3A_468 = vector.extract_strided_slice %mul3A_128 {offsets = [5], sizes = [1], strides = [1]} : vector<16xi32> to vector<1xi32>
        %squeeze3A_469 = vector.extract %slice3A_468[0] : i32 from vector<1xi32>
        %add3A_470 = arith.constant 0 : i32
        %add3A_471 = arith.addi %squeeze3A_469, %add3A_470 : i32
        %get3A_472 = arith.index_cast %rem3A_73 : i32 to index
        %get3A_473 = arith.index_cast %add3A_467 : i32 to index
        %get3A_474 = arith.index_cast %add3A_471 : i32 to index
        %get3A_475 = tpu.vector_load %arg7[%get3A_472, %get3A_473, %get3A_474] {strides = array<i32>} : memref<2x200x128xf32, #tpu.memory_space<vmem>>, vector<1x1x16xf32>,
        %get3A_476 = vector.shape_cast %get3A_475 : vector<1x1x16xf32> to vector<16xf32>
        %mul3A_477 = arith.constant 8.000000e+00 : f32
        %mul3A_478 = vector.broadcast %mul3A_477 : f32 to vector<16xf32>
        %mul3A_479 = arith.mulf %get3A_476, %mul3A_478 : vector<16xf32>
        %swap3A_480 = arith.index_cast %rem3A_73 : i32 to index
        %swap3A_481 = arith.index_cast %add3A_467 : i32 to index
        %swap3A_482 = arith.constant 0 : index
        %swap3A_483 = tpu.vector_load %arg8[%swap3A_480, %swap3A_481, %swap3A_482] {strides = array<i32>} : memref<2x200x64xf32, #tpu.memory_space<vmem>>, vector<1x1x16xf32>,
        %swap3A_484 = vector.shape_cast %swap3A_483 : vector<1x1x16xf32> to vector<16xf32>
        %swap3A_485 = vector.shape_cast %mul3A_479 : vector<16xf32> to vector<1x1x16xf32>
        tpu.vector_store %arg8[%swap3A_480, %swap3A_481, %swap3A_482], %swap3A_485 {strides = array<i32>} : memref<2x200x64xf32, #tpu.memory_space<vmem>>, vector<1x1x16xf32>,
        %add3A_486 = arith.constant 16 : i32
        %add3A_487 = arith.addi %squeeze3A_469, %add3A_486 : i32
        %get3A_488 = arith.index_cast %rem3A_73 : i32 to index
        %get3A_489 = arith.index_cast %add3A_467 : i32 to index
        %get3A_490 = arith.index_cast %add3A_487 : i32 to index
        %get3A_491 = tpu.vector_load %arg7[%get3A_488, %get3A_489, %get3A_490] {strides = array<i32>} : memref<2x200x128xf32, #tpu.memory_space<vmem>>, vector<1x1x16xf32>,
        %get3A_492 = vector.shape_cast %get3A_491 : vector<1x1x16xf32> to vector<16xf32>
        %mul3A_493 = arith.constant 8.000000e+00 : f32
        %mul3A_494 = vector.broadcast %mul3A_493 : f32 to vector<16xf32>
        %mul3A_495 = arith.mulf %get3A_492, %mul3A_494 : vector<16xf32>
        %swap3A_496 = arith.index_cast %rem3A_73 : i32 to index
        %swap3A_497 = arith.index_cast %add3A_467 : i32 to index
        %swap3A_498 = arith.constant 16 : index
        %swap3A_499 = tpu.vector_load %arg8[%swap3A_496, %swap3A_497, %swap3A_498] {strides = array<i32>} : memref<2x200x64xf32, #tpu.memory_space<vmem>>, vector<1x1x16xf32>,
        %swap3A_500 = vector.shape_cast %swap3A_499 : vector<1x1x16xf32> to vector<16xf32>
        %swap3A_501 = vector.shape_cast %mul3A_495 : vector<16xf32> to vector<1x1x16xf32>
        tpu.vector_store %arg8[%swap3A_496, %swap3A_497, %swap3A_498], %swap3A_501 {strides = array<i32>} : memref<2x200x64xf32, #tpu.memory_space<vmem>>, vector<1x1x16xf32>,
        %add3A_502 = arith.constant 32 : i32
        %add3A_503 = arith.addi %squeeze3A_469, %add3A_502 : i32
        %get3A_504 = arith.index_cast %rem3A_73 : i32 to index
        %get3A_505 = arith.index_cast %add3A_467 : i32 to index
        %get3A_506 = arith.index_cast %add3A_503 : i32 to index
        %get3A_507 = tpu.vector_load %arg7[%get3A_504, %get3A_505, %get3A_506] {strides = array<i32>} : memref<2x200x128xf32, #tpu.memory_space<vmem>>, vector<1x1x16xf32>,
        %get3A_508 = vector.shape_cast %get3A_507 : vector<1x1x16xf32> to vector<16xf32>
        %mul3A_509 = arith.constant 8.000000e+00 : f32
        %mul3A_510 = vector.broadcast %mul3A_509 : f32 to vector<16xf32>
        %mul3A_511 = arith.mulf %get3A_508, %mul3A_510 : vector<16xf32>
        %swap3A_512 = arith.index_cast %rem3A_73 : i32 to index
        %swap3A_513 = arith.index_cast %add3A_467 : i32 to index
        %swap3A_514 = arith.constant 32 : index
        %swap3A_515 = tpu.vector_load %arg8[%swap3A_512, %swap3A_513, %swap3A_514] {strides = array<i32>} : memref<2x200x64xf32, #tpu.memory_space<vmem>>, vector<1x1x16xf32>,
        %swap3A_516 = vector.shape_cast %swap3A_515 : vector<1x1x16xf32> to vector<16xf32>
        %swap3A_517 = vector.shape_cast %mul3A_511 : vector<16xf32> to vector<1x1x16xf32>
        tpu.vector_store %arg8[%swap3A_512, %swap3A_513, %swap3A_514], %swap3A_517 {strides = array<i32>} : memref<2x200x64xf32, #tpu.memory_space<vmem>>, vector<1x1x16xf32>,
        %add3A_518 = arith.constant 48 : i32
        %add3A_519 = arith.addi %squeeze3A_469, %add3A_518 : i32
        %get3A_520 = arith.index_cast %rem3A_73 : i32 to index
        %get3A_521 = arith.index_cast %add3A_467 : i32 to index
        %get3A_522 = arith.index_cast %add3A_519 : i32 to index
        %get3A_523 = tpu.vector_load %arg7[%get3A_520, %get3A_521, %get3A_522] {strides = array<i32>} : memref<2x200x128xf32, #tpu.memory_space<vmem>>, vector<1x1x16xf32>,
        %get3A_524 = vector.shape_cast %get3A_523 : vector<1x1x16xf32> to vector<16xf32>
        %mul3A_525 = arith.constant 8.000000e+00 : f32
        %mul3A_526 = vector.broadcast %mul3A_525 : f32 to vector<16xf32>
        %mul3A_527 = arith.mulf %get3A_524, %mul3A_526 : vector<16xf32>
        %swap3A_528 = arith.index_cast %rem3A_73 : i32 to index
        %swap3A_529 = arith.index_cast %add3A_467 : i32 to index
        %swap3A_530 = arith.constant 48 : index
        %swap3A_531 = tpu.vector_load %arg8[%swap3A_528, %swap3A_529, %swap3A_530] {strides = array<i32>} : memref<2x200x64xf32, #tpu.memory_space<vmem>>, vector<1x1x16xf32>,
        %swap3A_532 = vector.shape_cast %swap3A_531 : vector<1x1x16xf32> to vector<16xf32>
        %swap3A_533 = vector.shape_cast %mul3A_527 : vector<16xf32> to vector<1x1x16xf32>
        tpu.vector_store %arg8[%swap3A_528, %swap3A_529, %swap3A_530], %swap3A_533 {strides = array<i32>} : memref<2x200x64xf32, #tpu.memory_space<vmem>>, vector<1x1x16xf32>,
        %add3A_534 = arith.constant 6 : i32
        %add3A_535 = arith.addi %min3A_118, %add3A_534 : i32
        %slice3A_536 = vector.extract_strided_slice %mul3A_128 {offsets = [6], sizes = [1], strides = [1]} : vector<16xi32> to vector<1xi32>
        %squeeze3A_537 = vector.extract %slice3A_536[0] : i32 from vector<1xi32>
        %add3A_538 = arith.constant 0 : i32
        %add3A_539 = arith.addi %squeeze3A_537, %add3A_538 : i32
        %get3A_540 = arith.index_cast %rem3A_73 : i32 to index
        %get3A_541 = arith.index_cast %add3A_535 : i32 to index
        %get3A_542 = arith.index_cast %add3A_539 : i32 to index
        %get3A_543 = tpu.vector_load %arg7[%get3A_540, %get3A_541, %get3A_542] {strides = array<i32>} : memref<2x200x128xf32, #tpu.memory_space<vmem>>, vector<1x1x16xf32>,
        %get3A_544 = vector.shape_cast %get3A_543 : vector<1x1x16xf32> to vector<16xf32>
        %mul3A_545 = arith.constant 8.000000e+00 : f32
        %mul3A_546 = vector.broadcast %mul3A_545 : f32 to vector<16xf32>
        %mul3A_547 = arith.mulf %get3A_544, %mul3A_546 : vector<16xf32>
        %swap3A_548 = arith.index_cast %rem3A_73 : i32 to index
        %swap3A_549 = arith.index_cast %add3A_535 : i32 to index
        %swap3A_550 = arith.constant 0 : index
        %swap3A_551 = tpu.vector_load %arg8[%swap3A_548, %swap3A_549, %swap3A_550] {strides = array<i32>} : memref<2x200x64xf32, #tpu.memory_space<vmem>>, vector<1x1x16xf32>,
        %swap3A_552 = vector.shape_cast %swap3A_551 : vector<1x1x16xf32> to vector<16xf32>
        %swap3A_553 = vector.shape_cast %mul3A_547 : vector<16xf32> to vector<1x1x16xf32>
        tpu.vector_store %arg8[%swap3A_548, %swap3A_549, %swap3A_550], %swap3A_553 {strides = array<i32>} : memref<2x200x64xf32, #tpu.memory_space<vmem>>, vector<1x1x16xf32>,
        %add3A_554 = arith.constant 16 : i32
        %add3A_555 = arith.addi %squeeze3A_537, %add3A_554 : i32
        %get3A_556 = arith.index_cast %rem3A_73 : i32 to index
        %get3A_557 = arith.index_cast %add3A_535 : i32 to index
        %get3A_558 = arith.index_cast %add3A_555 : i32 to index
        %get3A_559 = tpu.vector_load %arg7[%get3A_556, %get3A_557, %get3A_558] {strides = array<i32>} : memref<2x200x128xf32, #tpu.memory_space<vmem>>, vector<1x1x16xf32>,
        %get3A_560 = vector.shape_cast %get3A_559 : vector<1x1x16xf32> to vector<16xf32>
        %mul3A_561 = arith.constant 8.000000e+00 : f32
        %mul3A_562 = vector.broadcast %mul3A_561 : f32 to vector<16xf32>
        %mul3A_563 = arith.mulf %get3A_560, %mul3A_562 : vector<16xf32>
        %swap3A_564 = arith.index_cast %rem3A_73 : i32 to index
        %swap3A_565 = arith.index_cast %add3A_535 : i32 to index
        %swap3A_566 = arith.constant 16 : index
        %swap3A_567 = tpu.vector_load %arg8[%swap3A_564, %swap3A_565, %swap3A_566] {strides = array<i32>} : memref<2x200x64xf32, #tpu.memory_space<vmem>>, vector<1x1x16xf32>,
        %swap3A_568 = vector.shape_cast %swap3A_567 : vector<1x1x16xf32> to vector<16xf32>
        %swap3A_569 = vector.shape_cast %mul3A_563 : vector<16xf32> to vector<1x1x16xf32>
        tpu.vector_store %arg8[%swap3A_564, %swap3A_565, %swap3A_566], %swap3A_569 {strides = array<i32>} : memref<2x200x64xf32, #tpu.memory_space<vmem>>, vector<1x1x16xf32>,
        %add3A_570 = arith.constant 32 : i32
        %add3A_571 = arith.addi %squeeze3A_537, %add3A_570 : i32
        %get3A_572 = arith.index_cast %rem3A_73 : i32 to index
        %get3A_573 = arith.index_cast %add3A_535 : i32 to index
        %get3A_574 = arith.index_cast %add3A_571 : i32 to index
        %get3A_575 = tpu.vector_load %arg7[%get3A_572, %get3A_573, %get3A_574] {strides = array<i32>} : memref<2x200x128xf32, #tpu.memory_space<vmem>>, vector<1x1x16xf32>,
        %get3A_576 = vector.shape_cast %get3A_575 : vector<1x1x16xf32> to vector<16xf32>
        %mul3A_577 = arith.constant 8.000000e+00 : f32
        %mul3A_578 = vector.broadcast %mul3A_577 : f32 to vector<16xf32>
        %mul3A_579 = arith.mulf %get3A_576, %mul3A_578 : vector<16xf32>
        %swap3A_580 = arith.index_cast %rem3A_73 : i32 to index
        %swap3A_581 = arith.index_cast %add3A_535 : i32 to index
        %swap3A_582 = arith.constant 32 : index
        %swap3A_583 = tpu.vector_load %arg8[%swap3A_580, %swap3A_581, %swap3A_582] {strides = array<i32>} : memref<2x200x64xf32, #tpu.memory_space<vmem>>, vector<1x1x16xf32>,
        %swap3A_584 = vector.shape_cast %swap3A_583 : vector<1x1x16xf32> to vector<16xf32>
        %swap3A_585 = vector.shape_cast %mul3A_579 : vector<16xf32> to vector<1x1x16xf32>
        tpu.vector_store %arg8[%swap3A_580, %swap3A_581, %swap3A_582], %swap3A_585 {strides = array<i32>} : memref<2x200x64xf32, #tpu.memory_space<vmem>>, vector<1x1x16xf32>,
        %add3A_586 = arith.constant 48 : i32
        %add3A_587 = arith.addi %squeeze3A_537, %add3A_586 : i32
        %get3A_588 = arith.index_cast %rem3A_73 : i32 to index
        %get3A_589 = arith.index_cast %add3A_535 : i32 to index
        %get3A_590 = arith.index_cast %add3A_587 : i32 to index
        %get3A_591 = tpu.vector_load %arg7[%get3A_588, %get3A_589, %get3A_590] {strides = array<i32>} : memref<2x200x128xf32, #tpu.memory_space<vmem>>, vector<1x1x16xf32>,
        %get3A_592 = vector.shape_cast %get3A_591 : vector<1x1x16xf32> to vector<16xf32>
        %mul3A_593 = arith.constant 8.000000e+00 : f32
        %mul3A_594 = vector.broadcast %mul3A_593 : f32 to vector<16xf32>
        %mul3A_595 = arith.mulf %get3A_592, %mul3A_594 : vector<16xf32>
        %swap3A_596 = arith.index_cast %rem3A_73 : i32 to index
        %swap3A_597 = arith.index_cast %add3A_535 : i32 to index
        %swap3A_598 = arith.constant 48 : index
        %swap3A_599 = tpu.vector_load %arg8[%swap3A_596, %swap3A_597, %swap3A_598] {strides = array<i32>} : memref<2x200x64xf32, #tpu.memory_space<vmem>>, vector<1x1x16xf32>,
        %swap3A_600 = vector.shape_cast %swap3A_599 : vector<1x1x16xf32> to vector<16xf32>
        %swap3A_601 = vector.shape_cast %mul3A_595 : vector<16xf32> to vector<1x1x16xf32>
        tpu.vector_store %arg8[%swap3A_596, %swap3A_597, %swap3A_598], %swap3A_601 {strides = array<i32>} : memref<2x200x64xf32, #tpu.memory_space<vmem>>, vector<1x1x16xf32>,
        %add3A_602 = arith.constant 7 : i32
        %add3A_603 = arith.addi %min3A_118, %add3A_602 : i32
        %slice3A_604 = vector.extract_strided_slice %mul3A_128 {offsets = [7], sizes = [1], strides = [1]} : vector<16xi32> to vector<1xi32>
        %squeeze3A_605 = vector.extract %slice3A_604[0] : i32 from vector<1xi32>
        %add3A_606 = arith.constant 0 : i32
        %add3A_607 = arith.addi %squeeze3A_605, %add3A_606 : i32
        %get3A_608 = arith.index_cast %rem3A_73 : i32 to index
        %get3A_609 = arith.index_cast %add3A_603 : i32 to index
        %get3A_610 = arith.index_cast %add3A_607 : i32 to index
        %get3A_611 = tpu.vector_load %arg7[%get3A_608, %get3A_609, %get3A_610] {strides = array<i32>} : memref<2x200x128xf32, #tpu.memory_space<vmem>>, vector<1x1x16xf32>,
        %get3A_612 = vector.shape_cast %get3A_611 : vector<1x1x16xf32> to vector<16xf32>
        %mul3A_613 = arith.constant 8.000000e+00 : f32
        %mul3A_614 = vector.broadcast %mul3A_613 : f32 to vector<16xf32>
        %mul3A_615 = arith.mulf %get3A_612, %mul3A_614 : vector<16xf32>
        %swap3A_616 = arith.index_cast %rem3A_73 : i32 to index
        %swap3A_617 = arith.index_cast %add3A_603 : i32 to index
        %swap3A_618 = arith.constant 0 : index
        %swap3A_619 = tpu.vector_load %arg8[%swap3A_616, %swap3A_617, %swap3A_618] {strides = array<i32>} : memref<2x200x64xf32, #tpu.memory_space<vmem>>, vector<1x1x16xf32>,
        %swap3A_620 = vector.shape_cast %swap3A_619 : vector<1x1x16xf32> to vector<16xf32>
        %swap3A_621 = vector.shape_cast %mul3A_615 : vector<16xf32> to vector<1x1x16xf32>
        tpu.vector_store %arg8[%swap3A_616, %swap3A_617, %swap3A_618], %swap3A_621 {strides = array<i32>} : memref<2x200x64xf32, #tpu.memory_space<vmem>>, vector<1x1x16xf32>,
        %add3A_622 = arith.constant 16 : i32
        %add3A_623 = arith.addi %squeeze3A_605, %add3A_622 : i32
        %get3A_624 = arith.index_cast %rem3A_73 : i32 to index
        %get3A_625 = arith.index_cast %add3A_603 : i32 to index
        %get3A_626 = arith.index_cast %add3A_623 : i32 to index
        %get3A_627 = tpu.vector_load %arg7[%get3A_624, %get3A_625, %get3A_626] {strides = array<i32>} : memref<2x200x128xf32, #tpu.memory_space<vmem>>, vector<1x1x16xf32>,
        %get3A_628 = vector.shape_cast %get3A_627 : vector<1x1x16xf32> to vector<16xf32>
        %mul3A_629 = arith.constant 8.000000e+00 : f32
        %mul3A_630 = vector.broadcast %mul3A_629 : f32 to vector<16xf32>
        %mul3A_631 = arith.mulf %get3A_628, %mul3A_630 : vector<16xf32>
        %swap3A_632 = arith.index_cast %rem3A_73 : i32 to index
        %swap3A_633 = arith.index_cast %add3A_603 : i32 to index
        %swap3A_634 = arith.constant 16 : index
        %swap3A_635 = tpu.vector_load %arg8[%swap3A_632, %swap3A_633, %swap3A_634] {strides = array<i32>} : memref<2x200x64xf32, #tpu.memory_space<vmem>>, vector<1x1x16xf32>,
        %swap3A_636 = vector.shape_cast %swap3A_635 : vector<1x1x16xf32> to vector<16xf32>
        %swap3A_637 = vector.shape_cast %mul3A_631 : vector<16xf32> to vector<1x1x16xf32>
        tpu.vector_store %arg8[%swap3A_632, %swap3A_633, %swap3A_634], %swap3A_637 {strides = array<i32>} : memref<2x200x64xf32, #tpu.memory_space<vmem>>, vector<1x1x16xf32>,
        %add3A_638 = arith.constant 32 : i32
        %add3A_639 = arith.addi %squeeze3A_605, %add3A_638 : i32
        %get3A_640 = arith.index_cast %rem3A_73 : i32 to index
        %get3A_641 = arith.index_cast %add3A_603 : i32 to index
        %get3A_642 = arith.index_cast %add3A_639 : i32 to index
        %get3A_643 = tpu.vector_load %arg7[%get3A_640, %get3A_641, %get3A_642] {strides = array<i32>} : memref<2x200x128xf32, #tpu.memory_space<vmem>>, vector<1x1x16xf32>,
        %get3A_644 = vector.shape_cast %get3A_643 : vector<1x1x16xf32> to vector<16xf32>
        %mul3A_645 = arith.constant 8.000000e+00 : f32
        %mul3A_646 = vector.broadcast %mul3A_645 : f32 to vector<16xf32>
        %mul3A_647 = arith.mulf %get3A_644, %mul3A_646 : vector<16xf32>
        %swap3A_648 = arith.index_cast %rem3A_73 : i32 to index
        %swap3A_649 = arith.index_cast %add3A_603 : i32 to index
        %swap3A_650 = arith.constant 32 : index
        %swap3A_651 = tpu.vector_load %arg8[%swap3A_648, %swap3A_649, %swap3A_650] {strides = array<i32>} : memref<2x200x64xf32, #tpu.memory_space<vmem>>, vector<1x1x16xf32>,
        %swap3A_652 = vector.shape_cast %swap3A_651 : vector<1x1x16xf32> to vector<16xf32>
        %swap3A_653 = vector.shape_cast %mul3A_647 : vector<16xf32> to vector<1x1x16xf32>
        tpu.vector_store %arg8[%swap3A_648, %swap3A_649, %swap3A_650], %swap3A_653 {strides = array<i32>} : memref<2x200x64xf32, #tpu.memory_space<vmem>>, vector<1x1x16xf32>,
        %add3A_654 = arith.constant 48 : i32
        %add3A_655 = arith.addi %squeeze3A_605, %add3A_654 : i32
        %get3A_656 = arith.index_cast %rem3A_73 : i32 to index
        %get3A_657 = arith.index_cast %add3A_603 : i32 to index
        %get3A_658 = arith.index_cast %add3A_655 : i32 to index
        %get3A_659 = tpu.vector_load %arg7[%get3A_656, %get3A_657, %get3A_658] {strides = array<i32>} : memref<2x200x128xf32, #tpu.memory_space<vmem>>, vector<1x1x16xf32>,
        %get3A_660 = vector.shape_cast %get3A_659 : vector<1x1x16xf32> to vector<16xf32>
        %mul3A_661 = arith.constant 8.000000e+00 : f32
        %mul3A_662 = vector.broadcast %mul3A_661 : f32 to vector<16xf32>
        %mul3A_663 = arith.mulf %get3A_660, %mul3A_662 : vector<16xf32>
        %swap3A_664 = arith.index_cast %rem3A_73 : i32 to index
        %swap3A_665 = arith.index_cast %add3A_603 : i32 to index
        %swap3A_666 = arith.constant 48 : index
        %swap3A_667 = tpu.vector_load %arg8[%swap3A_664, %swap3A_665, %swap3A_666] {strides = array<i32>} : memref<2x200x64xf32, #tpu.memory_space<vmem>>, vector<1x1x16xf32>,
        %swap3A_668 = vector.shape_cast %swap3A_667 : vector<1x1x16xf32> to vector<16xf32>
        %swap3A_669 = vector.shape_cast %mul3A_663 : vector<16xf32> to vector<1x1x16xf32>
        tpu.vector_store %arg8[%swap3A_664, %swap3A_665, %swap3A_666], %swap3A_669 {strides = array<i32>} : memref<2x200x64xf32, #tpu.memory_space<vmem>>, vector<1x1x16xf32>,
        %add3A_670 = arith.constant 8 : i32
        %add3A_671 = arith.addi %min3A_118, %add3A_670 : i32
        %slice3A_672 = vector.extract_strided_slice %mul3A_128 {offsets = [8], sizes = [1], strides = [1]} : vector<16xi32> to vector<1xi32>
        %squeeze3A_673 = vector.extract %slice3A_672[0] : i32 from vector<1xi32>
        %add3A_674 = arith.constant 0 : i32
        %add3A_675 = arith.addi %squeeze3A_673, %add3A_674 : i32
        %get3A_676 = arith.index_cast %rem3A_73 : i32 to index
        %get3A_677 = arith.index_cast %add3A_671 : i32 to index
        %get3A_678 = arith.index_cast %add3A_675 : i32 to index
        %get3A_679 = tpu.vector_load %arg7[%get3A_676, %get3A_677, %get3A_678] {strides = array<i32>} : memref<2x200x128xf32, #tpu.memory_space<vmem>>, vector<1x1x16xf32>,
        %get3A_680 = vector.shape_cast %get3A_679 : vector<1x1x16xf32> to vector<16xf32>
        %mul3A_681 = arith.constant 8.000000e+00 : f32
        %mul3A_682 = vector.broadcast %mul3A_681 : f32 to vector<16xf32>
        %mul3A_683 = arith.mulf %get3A_680, %mul3A_682 : vector<16xf32>
        %swap3A_684 = arith.index_cast %rem3A_73 : i32 to index
        %swap3A_685 = arith.index_cast %add3A_671 : i32 to index
        %swap3A_686 = arith.constant 0 : index
        %swap3A_687 = tpu.vector_load %arg8[%swap3A_684, %swap3A_685, %swap3A_686] {strides = array<i32>} : memref<2x200x64xf32, #tpu.memory_space<vmem>>, vector<1x1x16xf32>,
        %swap3A_688 = vector.shape_cast %swap3A_687 : vector<1x1x16xf32> to vector<16xf32>
        %swap3A_689 = vector.shape_cast %mul3A_683 : vector<16xf32> to vector<1x1x16xf32>
        tpu.vector_store %arg8[%swap3A_684, %swap3A_685, %swap3A_686], %swap3A_689 {strides = array<i32>} : memref<2x200x64xf32, #tpu.memory_space<vmem>>, vector<1x1x16xf32>,
        %add3A_690 = arith.constant 16 : i32
        %add3A_691 = arith.addi %squeeze3A_673, %add3A_690 : i32
        %get3A_692 = arith.index_cast %rem3A_73 : i32 to index
        %get3A_693 = arith.index_cast %add3A_671 : i32 to index
        %get3A_694 = arith.index_cast %add3A_691 : i32 to index
        %get3A_695 = tpu.vector_load %arg7[%get3A_692, %get3A_693, %get3A_694] {strides = array<i32>} : memref<2x200x128xf32, #tpu.memory_space<vmem>>, vector<1x1x16xf32>,
        %get3A_696 = vector.shape_cast %get3A_695 : vector<1x1x16xf32> to vector<16xf32>
        %mul3A_697 = arith.constant 8.000000e+00 : f32
        %mul3A_698 = vector.broadcast %mul3A_697 : f32 to vector<16xf32>
        %mul3A_699 = arith.mulf %get3A_696, %mul3A_698 : vector<16xf32>
        %swap3A_700 = arith.index_cast %rem3A_73 : i32 to index
        %swap3A_701 = arith.index_cast %add3A_671 : i32 to index
        %swap3A_702 = arith.constant 16 : index
        %swap3A_703 = tpu.vector_load %arg8[%swap3A_700, %swap3A_701, %swap3A_702] {strides = array<i32>} : memref<2x200x64xf32, #tpu.memory_space<vmem>>, vector<1x1x16xf32>,
        %swap3A_704 = vector.shape_cast %swap3A_703 : vector<1x1x16xf32> to vector<16xf32>
        %swap3A_705 = vector.shape_cast %mul3A_699 : vector<16xf32> to vector<1x1x16xf32>
        tpu.vector_store %arg8[%swap3A_700, %swap3A_701, %swap3A_702], %swap3A_705 {strides = array<i32>} : memref<2x200x64xf32, #tpu.memory_space<vmem>>, vector<1x1x16xf32>,
        %add3A_706 = arith.constant 32 : i32
        %add3A_707 = arith.addi %squeeze3A_673, %add3A_706 : i32
        %get3A_708 = arith.index_cast %rem3A_73 : i32 to index
        %get3A_709 = arith.index_cast %add3A_671 : i32 to index
        %get3A_710 = arith.index_cast %add3A_707 : i32 to index
        %get3A_711 = tpu.vector_load %arg7[%get3A_708, %get3A_709, %get3A_710] {strides = array<i32>} : memref<2x200x128xf32, #tpu.memory_space<vmem>>, vector<1x1x16xf32>,
        %get3A_712 = vector.shape_cast %get3A_711 : vector<1x1x16xf32> to vector<16xf32>
        %mul3A_713 = arith.constant 8.000000e+00 : f32
        %mul3A_714 = vector.broadcast %mul3A_713 : f32 to vector<16xf32>
        %mul3A_715 = arith.mulf %get3A_712, %mul3A_714 : vector<16xf32>
        %swap3A_716 = arith.index_cast %rem3A_73 : i32 to index
        %swap3A_717 = arith.index_cast %add3A_671 : i32 to index
        %swap3A_718 = arith.constant 32 : index
        %swap3A_719 = tpu.vector_load %arg8[%swap3A_716, %swap3A_717, %swap3A_718] {strides = array<i32>} : memref<2x200x64xf32, #tpu.memory_space<vmem>>, vector<1x1x16xf32>,
        %swap3A_720 = vector.shape_cast %swap3A_719 : vector<1x1x16xf32> to vector<16xf32>
        %swap3A_721 = vector.shape_cast %mul3A_715 : vector<16xf32> to vector<1x1x16xf32>
        tpu.vector_store %arg8[%swap3A_716, %swap3A_717, %swap3A_718], %swap3A_721 {strides = array<i32>} : memref<2x200x64xf32, #tpu.memory_space<vmem>>, vector<1x1x16xf32>,
        %add3A_722 = arith.constant 48 : i32
        %add3A_723 = arith.addi %squeeze3A_673, %add3A_722 : i32
        %get3A_724 = arith.index_cast %rem3A_73 : i32 to index
        %get3A_725 = arith.index_cast %add3A_671 : i32 to index
        %get3A_726 = arith.index_cast %add3A_723 : i32 to index
        %get3A_727 = tpu.vector_load %arg7[%get3A_724, %get3A_725, %get3A_726] {strides = array<i32>} : memref<2x200x128xf32, #tpu.memory_space<vmem>>, vector<1x1x16xf32>,
        %get3A_728 = vector.shape_cast %get3A_727 : vector<1x1x16xf32> to vector<16xf32>
        %mul3A_729 = arith.constant 8.000000e+00 : f32
        %mul3A_730 = vector.broadcast %mul3A_729 : f32 to vector<16xf32>
        %mul3A_731 = arith.mulf %get3A_728, %mul3A_730 : vector<16xf32>
        %swap3A_732 = arith.index_cast %rem3A_73 : i32 to index
        %swap3A_733 = arith.index_cast %add3A_671 : i32 to index
        %swap3A_734 = arith.constant 48 : index
        %swap3A_735 = tpu.vector_load %arg8[%swap3A_732, %swap3A_733, %swap3A_734] {strides = array<i32>} : memref<2x200x64xf32, #tpu.memory_space<vmem>>, vector<1x1x16xf32>,
        %swap3A_736 = vector.shape_cast %swap3A_735 : vector<1x1x16xf32> to vector<16xf32>
        %swap3A_737 = vector.shape_cast %mul3A_731 : vector<16xf32> to vector<1x1x16xf32>
        tpu.vector_store %arg8[%swap3A_732, %swap3A_733, %swap3A_734], %swap3A_737 {strides = array<i32>} : memref<2x200x64xf32, #tpu.memory_space<vmem>>, vector<1x1x16xf32>,
        %add3A_738 = arith.constant 9 : i32
        %add3A_739 = arith.addi %min3A_118, %add3A_738 : i32
        %slice3A_740 = vector.extract_strided_slice %mul3A_128 {offsets = [9], sizes = [1], strides = [1]} : vector<16xi32> to vector<1xi32>
        %squeeze3A_741 = vector.extract %slice3A_740[0] : i32 from vector<1xi32>
        %add3A_742 = arith.constant 0 : i32
        %add3A_743 = arith.addi %squeeze3A_741, %add3A_742 : i32
        %get3A_744 = arith.index_cast %rem3A_73 : i32 to index
        %get3A_745 = arith.index_cast %add3A_739 : i32 to index
        %get3A_746 = arith.index_cast %add3A_743 : i32 to index
        %get3A_747 = tpu.vector_load %arg7[%get3A_744, %get3A_745, %get3A_746] {strides = array<i32>} : memref<2x200x128xf32, #tpu.memory_space<vmem>>, vector<1x1x16xf32>,
        %get3A_748 = vector.shape_cast %get3A_747 : vector<1x1x16xf32> to vector<16xf32>
        %mul3A_749 = arith.constant 8.000000e+00 : f32
        %mul3A_750 = vector.broadcast %mul3A_749 : f32 to vector<16xf32>
        %mul3A_751 = arith.mulf %get3A_748, %mul3A_750 : vector<16xf32>
        %swap3A_752 = arith.index_cast %rem3A_73 : i32 to index
        %swap3A_753 = arith.index_cast %add3A_739 : i32 to index
        %swap3A_754 = arith.constant 0 : index
        %swap3A_755 = tpu.vector_load %arg8[%swap3A_752, %swap3A_753, %swap3A_754] {strides = array<i32>} : memref<2x200x64xf32, #tpu.memory_space<vmem>>, vector<1x1x16xf32>,
        %swap3A_756 = vector.shape_cast %swap3A_755 : vector<1x1x16xf32> to vector<16xf32>
        %swap3A_757 = vector.shape_cast %mul3A_751 : vector<16xf32> to vector<1x1x16xf32>
        tpu.vector_store %arg8[%swap3A_752, %swap3A_753, %swap3A_754], %swap3A_757 {strides = array<i32>} : memref<2x200x64xf32, #tpu.memory_space<vmem>>, vector<1x1x16xf32>,
        %add3A_758 = arith.constant 16 : i32
        %add3A_759 = arith.addi %squeeze3A_741, %add3A_758 : i32
        %get3A_760 = arith.index_cast %rem3A_73 : i32 to index
        %get3A_761 = arith.index_cast %add3A_739 : i32 to index
        %get3A_762 = arith.index_cast %add3A_759 : i32 to index
        %get3A_763 = tpu.vector_load %arg7[%get3A_760, %get3A_761, %get3A_762] {strides = array<i32>} : memref<2x200x128xf32, #tpu.memory_space<vmem>>, vector<1x1x16xf32>,
        %get3A_764 = vector.shape_cast %get3A_763 : vector<1x1x16xf32> to vector<16xf32>
        %mul3A_765 = arith.constant 8.000000e+00 : f32
        %mul3A_766 = vector.broadcast %mul3A_765 : f32 to vector<16xf32>
        %mul3A_767 = arith.mulf %get3A_764, %mul3A_766 : vector<16xf32>
        %swap3A_768 = arith.index_cast %rem3A_73 : i32 to index
        %swap3A_769 = arith.index_cast %add3A_739 : i32 to index
        %swap3A_770 = arith.constant 16 : index
        %swap3A_771 = tpu.vector_load %arg8[%swap3A_768, %swap3A_769, %swap3A_770] {strides = array<i32>} : memref<2x200x64xf32, #tpu.memory_space<vmem>>, vector<1x1x16xf32>,
        %swap3A_772 = vector.shape_cast %swap3A_771 : vector<1x1x16xf32> to vector<16xf32>
        %swap3A_773 = vector.shape_cast %mul3A_767 : vector<16xf32> to vector<1x1x16xf32>
        tpu.vector_store %arg8[%swap3A_768, %swap3A_769, %swap3A_770], %swap3A_773 {strides = array<i32>} : memref<2x200x64xf32, #tpu.memory_space<vmem>>, vector<1x1x16xf32>,
        %add3A_774 = arith.constant 32 : i32
        %add3A_775 = arith.addi %squeeze3A_741, %add3A_774 : i32
        %get3A_776 = arith.index_cast %rem3A_73 : i32 to index
        %get3A_777 = arith.index_cast %add3A_739 : i32 to index
        %get3A_778 = arith.index_cast %add3A_775 : i32 to index
        %get3A_779 = tpu.vector_load %arg7[%get3A_776, %get3A_777, %get3A_778] {strides = array<i32>} : memref<2x200x128xf32, #tpu.memory_space<vmem>>, vector<1x1x16xf32>,
        %get3A_780 = vector.shape_cast %get3A_779 : vector<1x1x16xf32> to vector<16xf32>
        %mul3A_781 = arith.constant 8.000000e+00 : f32
        %mul3A_782 = vector.broadcast %mul3A_781 : f32 to vector<16xf32>
        %mul3A_783 = arith.mulf %get3A_780, %mul3A_782 : vector<16xf32>
        %swap3A_784 = arith.index_cast %rem3A_73 : i32 to index
        %swap3A_785 = arith.index_cast %add3A_739 : i32 to index
        %swap3A_786 = arith.constant 32 : index
        %swap3A_787 = tpu.vector_load %arg8[%swap3A_784, %swap3A_785, %swap3A_786] {strides = array<i32>} : memref<2x200x64xf32, #tpu.memory_space<vmem>>, vector<1x1x16xf32>,
        %swap3A_788 = vector.shape_cast %swap3A_787 : vector<1x1x16xf32> to vector<16xf32>
        %swap3A_789 = vector.shape_cast %mul3A_783 : vector<16xf32> to vector<1x1x16xf32>
        tpu.vector_store %arg8[%swap3A_784, %swap3A_785, %swap3A_786], %swap3A_789 {strides = array<i32>} : memref<2x200x64xf32, #tpu.memory_space<vmem>>, vector<1x1x16xf32>,
        %add3A_790 = arith.constant 48 : i32
        %add3A_791 = arith.addi %squeeze3A_741, %add3A_790 : i32
        %get3A_792 = arith.index_cast %rem3A_73 : i32 to index
        %get3A_793 = arith.index_cast %add3A_739 : i32 to index
        %get3A_794 = arith.index_cast %add3A_791 : i32 to index
        %get3A_795 = tpu.vector_load %arg7[%get3A_792, %get3A_793, %get3A_794] {strides = array<i32>} : memref<2x200x128xf32, #tpu.memory_space<vmem>>, vector<1x1x16xf32>,
        %get3A_796 = vector.shape_cast %get3A_795 : vector<1x1x16xf32> to vector<16xf32>
        %mul3A_797 = arith.constant 8.000000e+00 : f32
        %mul3A_798 = vector.broadcast %mul3A_797 : f32 to vector<16xf32>
        %mul3A_799 = arith.mulf %get3A_796, %mul3A_798 : vector<16xf32>
        %swap3A_800 = arith.index_cast %rem3A_73 : i32 to index
        %swap3A_801 = arith.index_cast %add3A_739 : i32 to index
        %swap3A_802 = arith.constant 48 : index
        %swap3A_803 = tpu.vector_load %arg8[%swap3A_800, %swap3A_801, %swap3A_802] {strides = array<i32>} : memref<2x200x64xf32, #tpu.memory_space<vmem>>, vector<1x1x16xf32>,
        %swap3A_804 = vector.shape_cast %swap3A_803 : vector<1x1x16xf32> to vector<16xf32>
        %swap3A_805 = vector.shape_cast %mul3A_799 : vector<16xf32> to vector<1x1x16xf32>
        tpu.vector_store %arg8[%swap3A_800, %swap3A_801, %swap3A_802], %swap3A_805 {strides = array<i32>} : memref<2x200x64xf32, #tpu.memory_space<vmem>>, vector<1x1x16xf32>,
        %add3A_806 = arith.constant 10 : i32
        %add3A_807 = arith.addi %min3A_118, %add3A_806 : i32
        %slice3A_808 = vector.extract_strided_slice %mul3A_128 {offsets = [10], sizes = [1], strides = [1]} : vector<16xi32> to vector<1xi32>
        %squeeze3A_809 = vector.extract %slice3A_808[0] : i32 from vector<1xi32>
        %add3A_810 = arith.constant 0 : i32
        %add3A_811 = arith.addi %squeeze3A_809, %add3A_810 : i32
        %get3A_812 = arith.index_cast %rem3A_73 : i32 to index
        %get3A_813 = arith.index_cast %add3A_807 : i32 to index
        %get3A_814 = arith.index_cast %add3A_811 : i32 to index
        %get3A_815 = tpu.vector_load %arg7[%get3A_812, %get3A_813, %get3A_814] {strides = array<i32>} : memref<2x200x128xf32, #tpu.memory_space<vmem>>, vector<1x1x16xf32>,
        %get3A_816 = vector.shape_cast %get3A_815 : vector<1x1x16xf32> to vector<16xf32>
        %mul3A_817 = arith.constant 8.000000e+00 : f32
        %mul3A_818 = vector.broadcast %mul3A_817 : f32 to vector<16xf32>
        %mul3A_819 = arith.mulf %get3A_816, %mul3A_818 : vector<16xf32>
        %swap3A_820 = arith.index_cast %rem3A_73 : i32 to index
        %swap3A_821 = arith.index_cast %add3A_807 : i32 to index
        %swap3A_822 = arith.constant 0 : index
        %swap3A_823 = tpu.vector_load %arg8[%swap3A_820, %swap3A_821, %swap3A_822] {strides = array<i32>} : memref<2x200x64xf32, #tpu.memory_space<vmem>>, vector<1x1x16xf32>,
        %swap3A_824 = vector.shape_cast %swap3A_823 : vector<1x1x16xf32> to vector<16xf32>
        %swap3A_825 = vector.shape_cast %mul3A_819 : vector<16xf32> to vector<1x1x16xf32>
        tpu.vector_store %arg8[%swap3A_820, %swap3A_821, %swap3A_822], %swap3A_825 {strides = array<i32>} : memref<2x200x64xf32, #tpu.memory_space<vmem>>, vector<1x1x16xf32>,
        %add3A_826 = arith.constant 16 : i32
        %add3A_827 = arith.addi %squeeze3A_809, %add3A_826 : i32
        %get3A_828 = arith.index_cast %rem3A_73 : i32 to index
        %get3A_829 = arith.index_cast %add3A_807 : i32 to index
        %get3A_830 = arith.index_cast %add3A_827 : i32 to index
        %get3A_831 = tpu.vector_load %arg7[%get3A_828, %get3A_829, %get3A_830] {strides = array<i32>} : memref<2x200x128xf32, #tpu.memory_space<vmem>>, vector<1x1x16xf32>,
        %get3A_832 = vector.shape_cast %get3A_831 : vector<1x1x16xf32> to vector<16xf32>
        %mul3A_833 = arith.constant 8.000000e+00 : f32
        %mul3A_834 = vector.broadcast %mul3A_833 : f32 to vector<16xf32>
        %mul3A_835 = arith.mulf %get3A_832, %mul3A_834 : vector<16xf32>
        %swap3A_836 = arith.index_cast %rem3A_73 : i32 to index
        %swap3A_837 = arith.index_cast %add3A_807 : i32 to index
        %swap3A_838 = arith.constant 16 : index
        %swap3A_839 = tpu.vector_load %arg8[%swap3A_836, %swap3A_837, %swap3A_838] {strides = array<i32>} : memref<2x200x64xf32, #tpu.memory_space<vmem>>, vector<1x1x16xf32>,
        %swap3A_840 = vector.shape_cast %swap3A_839 : vector<1x1x16xf32> to vector<16xf32>
        %swap3A_841 = vector.shape_cast %mul3A_835 : vector<16xf32> to vector<1x1x16xf32>
        tpu.vector_store %arg8[%swap3A_836, %swap3A_837, %swap3A_838], %swap3A_841 {strides = array<i32>} : memref<2x200x64xf32, #tpu.memory_space<vmem>>, vector<1x1x16xf32>,
        %add3A_842 = arith.constant 32 : i32
        %add3A_843 = arith.addi %squeeze3A_809, %add3A_842 : i32
        %get3A_844 = arith.index_cast %rem3A_73 : i32 to index
        %get3A_845 = arith.index_cast %add3A_807 : i32 to index
        %get3A_846 = arith.index_cast %add3A_843 : i32 to index
        %get3A_847 = tpu.vector_load %arg7[%get3A_844, %get3A_845, %get3A_846] {strides = array<i32>} : memref<2x200x128xf32, #tpu.memory_space<vmem>>, vector<1x1x16xf32>,
        %get3A_848 = vector.shape_cast %get3A_847 : vector<1x1x16xf32> to vector<16xf32>
        %mul3A_849 = arith.constant 8.000000e+00 : f32
        %mul3A_850 = vector.broadcast %mul3A_849 : f32 to vector<16xf32>
        %mul3A_851 = arith.mulf %get3A_848, %mul3A_850 : vector<16xf32>
        %swap3A_852 = arith.index_cast %rem3A_73 : i32 to index
        %swap3A_853 = arith.index_cast %add3A_807 : i32 to index
        %swap3A_854 = arith.constant 32 : index
        %swap3A_855 = tpu.vector_load %arg8[%swap3A_852, %swap3A_853, %swap3A_854] {strides = array<i32>} : memref<2x200x64xf32, #tpu.memory_space<vmem>>, vector<1x1x16xf32>,
        %swap3A_856 = vector.shape_cast %swap3A_855 : vector<1x1x16xf32> to vector<16xf32>
        %swap3A_857 = vector.shape_cast %mul3A_851 : vector<16xf32> to vector<1x1x16xf32>
        tpu.vector_store %arg8[%swap3A_852, %swap3A_853, %swap3A_854], %swap3A_857 {strides = array<i32>} : memref<2x200x64xf32, #tpu.memory_space<vmem>>, vector<1x1x16xf32>,
        %add3A_858 = arith.constant 48 : i32
        %add3A_859 = arith.addi %squeeze3A_809, %add3A_858 : i32
        %get3A_860 = arith.index_cast %rem3A_73 : i32 to index
        %get3A_861 = arith.index_cast %add3A_807 : i32 to index
        %get3A_862 = arith.index_cast %add3A_859 : i32 to index
        %get3A_863 = tpu.vector_load %arg7[%get3A_860, %get3A_861, %get3A_862] {strides = array<i32>} : memref<2x200x128xf32, #tpu.memory_space<vmem>>, vector<1x1x16xf32>,
        %get3A_864 = vector.shape_cast %get3A_863 : vector<1x1x16xf32> to vector<16xf32>
        %mul3A_865 = arith.constant 8.000000e+00 : f32
        %mul3A_866 = vector.broadcast %mul3A_865 : f32 to vector<16xf32>
        %mul3A_867 = arith.mulf %get3A_864, %mul3A_866 : vector<16xf32>
        %swap3A_868 = arith.index_cast %rem3A_73 : i32 to index
        %swap3A_869 = arith.index_cast %add3A_807 : i32 to index
        %swap3A_870 = arith.constant 48 : index
        %swap3A_871 = tpu.vector_load %arg8[%swap3A_868, %swap3A_869, %swap3A_870] {strides = array<i32>} : memref<2x200x64xf32, #tpu.memory_space<vmem>>, vector<1x1x16xf32>,
        %swap3A_872 = vector.shape_cast %swap3A_871 : vector<1x1x16xf32> to vector<16xf32>
        %swap3A_873 = vector.shape_cast %mul3A_867 : vector<16xf32> to vector<1x1x16xf32>
        tpu.vector_store %arg8[%swap3A_868, %swap3A_869, %swap3A_870], %swap3A_873 {strides = array<i32>} : memref<2x200x64xf32, #tpu.memory_space<vmem>>, vector<1x1x16xf32>,
        %add3A_874 = arith.constant 11 : i32
        %add3A_875 = arith.addi %min3A_118, %add3A_874 : i32
        %slice3A_876 = vector.extract_strided_slice %mul3A_128 {offsets = [11], sizes = [1], strides = [1]} : vector<16xi32> to vector<1xi32>
        %squeeze3A_877 = vector.extract %slice3A_876[0] : i32 from vector<1xi32>
        %add3A_878 = arith.constant 0 : i32
        %add3A_879 = arith.addi %squeeze3A_877, %add3A_878 : i32
        %get3A_880 = arith.index_cast %rem3A_73 : i32 to index
        %get3A_881 = arith.index_cast %add3A_875 : i32 to index
        %get3A_882 = arith.index_cast %add3A_879 : i32 to index
        %get3A_883 = tpu.vector_load %arg7[%get3A_880, %get3A_881, %get3A_882] {strides = array<i32>} : memref<2x200x128xf32, #tpu.memory_space<vmem>>, vector<1x1x16xf32>,
        %get3A_884 = vector.shape_cast %get3A_883 : vector<1x1x16xf32> to vector<16xf32>
        %mul3A_885 = arith.constant 8.000000e+00 : f32
        %mul3A_886 = vector.broadcast %mul3A_885 : f32 to vector<16xf32>
        %mul3A_887 = arith.mulf %get3A_884, %mul3A_886 : vector<16xf32>
        %swap3A_888 = arith.index_cast %rem3A_73 : i32 to index
        %swap3A_889 = arith.index_cast %add3A_875 : i32 to index
        %swap3A_890 = arith.constant 0 : index
        %swap3A_891 = tpu.vector_load %arg8[%swap3A_888, %swap3A_889, %swap3A_890] {strides = array<i32>} : memref<2x200x64xf32, #tpu.memory_space<vmem>>, vector<1x1x16xf32>,
        %swap3A_892 = vector.shape_cast %swap3A_891 : vector<1x1x16xf32> to vector<16xf32>
        %swap3A_893 = vector.shape_cast %mul3A_887 : vector<16xf32> to vector<1x1x16xf32>
        tpu.vector_store %arg8[%swap3A_888, %swap3A_889, %swap3A_890], %swap3A_893 {strides = array<i32>} : memref<2x200x64xf32, #tpu.memory_space<vmem>>, vector<1x1x16xf32>,
        %add3A_894 = arith.constant 16 : i32
        %add3A_895 = arith.addi %squeeze3A_877, %add3A_894 : i32
        %get3A_896 = arith.index_cast %rem3A_73 : i32 to index
        %get3A_897 = arith.index_cast %add3A_875 : i32 to index
        %get3A_898 = arith.index_cast %add3A_895 : i32 to index
        %get3A_899 = tpu.vector_load %arg7[%get3A_896, %get3A_897, %get3A_898] {strides = array<i32>} : memref<2x200x128xf32, #tpu.memory_space<vmem>>, vector<1x1x16xf32>,
        %get3A_900 = vector.shape_cast %get3A_899 : vector<1x1x16xf32> to vector<16xf32>
        %mul3A_901 = arith.constant 8.000000e+00 : f32
        %mul3A_902 = vector.broadcast %mul3A_901 : f32 to vector<16xf32>
        %mul3A_903 = arith.mulf %get3A_900, %mul3A_902 : vector<16xf32>
        %swap3A_904 = arith.index_cast %rem3A_73 : i32 to index
        %swap3A_905 = arith.index_cast %add3A_875 : i32 to index
        %swap3A_906 = arith.constant 16 : index
        %swap3A_907 = tpu.vector_load %arg8[%swap3A_904, %swap3A_905, %swap3A_906] {strides = array<i32>} : memref<2x200x64xf32, #tpu.memory_space<vmem>>, vector<1x1x16xf32>,
        %swap3A_908 = vector.shape_cast %swap3A_907 : vector<1x1x16xf32> to vector<16xf32>
        %swap3A_909 = vector.shape_cast %mul3A_903 : vector<16xf32> to vector<1x1x16xf32>
        tpu.vector_store %arg8[%swap3A_904, %swap3A_905, %swap3A_906], %swap3A_909 {strides = array<i32>} : memref<2x200x64xf32, #tpu.memory_space<vmem>>, vector<1x1x16xf32>,
        %add3A_910 = arith.constant 32 : i32
        %add3A_911 = arith.addi %squeeze3A_877, %add3A_910 : i32
        %get3A_912 = arith.index_cast %rem3A_73 : i32 to index
        %get3A_913 = arith.index_cast %add3A_875 : i32 to index
        %get3A_914 = arith.index_cast %add3A_911 : i32 to index
        %get3A_915 = tpu.vector_load %arg7[%get3A_912, %get3A_913, %get3A_914] {strides = array<i32>} : memref<2x200x128xf32, #tpu.memory_space<vmem>>, vector<1x1x16xf32>,
        %get3A_916 = vector.shape_cast %get3A_915 : vector<1x1x16xf32> to vector<16xf32>
        %mul3A_917 = arith.constant 8.000000e+00 : f32
        %mul3A_918 = vector.broadcast %mul3A_917 : f32 to vector<16xf32>
        %mul3A_919 = arith.mulf %get3A_916, %mul3A_918 : vector<16xf32>
        %swap3A_920 = arith.index_cast %rem3A_73 : i32 to index
        %swap3A_921 = arith.index_cast %add3A_875 : i32 to index
        %swap3A_922 = arith.constant 32 : index
        %swap3A_923 = tpu.vector_load %arg8[%swap3A_920, %swap3A_921, %swap3A_922] {strides = array<i32>} : memref<2x200x64xf32, #tpu.memory_space<vmem>>, vector<1x1x16xf32>,
        %swap3A_924 = vector.shape_cast %swap3A_923 : vector<1x1x16xf32> to vector<16xf32>
        %swap3A_925 = vector.shape_cast %mul3A_919 : vector<16xf32> to vector<1x1x16xf32>
        tpu.vector_store %arg8[%swap3A_920, %swap3A_921, %swap3A_922], %swap3A_925 {strides = array<i32>} : memref<2x200x64xf32, #tpu.memory_space<vmem>>, vector<1x1x16xf32>,
        %add3A_926 = arith.constant 48 : i32
        %add3A_927 = arith.addi %squeeze3A_877, %add3A_926 : i32
        %get3A_928 = arith.index_cast %rem3A_73 : i32 to index
        %get3A_929 = arith.index_cast %add3A_875 : i32 to index
        %get3A_930 = arith.index_cast %add3A_927 : i32 to index
        %get3A_931 = tpu.vector_load %arg7[%get3A_928, %get3A_929, %get3A_930] {strides = array<i32>} : memref<2x200x128xf32, #tpu.memory_space<vmem>>, vector<1x1x16xf32>,
        %get3A_932 = vector.shape_cast %get3A_931 : vector<1x1x16xf32> to vector<16xf32>
        %mul3A_933 = arith.constant 8.000000e+00 : f32
        %mul3A_934 = vector.broadcast %mul3A_933 : f32 to vector<16xf32>
        %mul3A_935 = arith.mulf %get3A_932, %mul3A_934 : vector<16xf32>
        %swap3A_936 = arith.index_cast %rem3A_73 : i32 to index
        %swap3A_937 = arith.index_cast %add3A_875 : i32 to index
        %swap3A_938 = arith.constant 48 : index
        %swap3A_939 = tpu.vector_load %arg8[%swap3A_936, %swap3A_937, %swap3A_938] {strides = array<i32>} : memref<2x200x64xf32, #tpu.memory_space<vmem>>, vector<1x1x16xf32>,
        %swap3A_940 = vector.shape_cast %swap3A_939 : vector<1x1x16xf32> to vector<16xf32>
        %swap3A_941 = vector.shape_cast %mul3A_935 : vector<16xf32> to vector<1x1x16xf32>
        tpu.vector_store %arg8[%swap3A_936, %swap3A_937, %swap3A_938], %swap3A_941 {strides = array<i32>} : memref<2x200x64xf32, #tpu.memory_space<vmem>>, vector<1x1x16xf32>,
        %add3A_942 = arith.constant 12 : i32
        %add3A_943 = arith.addi %min3A_118, %add3A_942 : i32
        %slice3A_944 = vector.extract_strided_slice %mul3A_128 {offsets = [12], sizes = [1], strides = [1]} : vector<16xi32> to vector<1xi32>
        %squeeze3A_945 = vector.extract %slice3A_944[0] : i32 from vector<1xi32>
        %add3A_946 = arith.constant 0 : i32
        %add3A_947 = arith.addi %squeeze3A_945, %add3A_946 : i32
        %get3A_948 = arith.index_cast %rem3A_73 : i32 to index
        %get3A_949 = arith.index_cast %add3A_943 : i32 to index
        %get3A_950 = arith.index_cast %add3A_947 : i32 to index
        %get3A_951 = tpu.vector_load %arg7[%get3A_948, %get3A_949, %get3A_950] {strides = array<i32>} : memref<2x200x128xf32, #tpu.memory_space<vmem>>, vector<1x1x16xf32>,
        %get3A_952 = vector.shape_cast %get3A_951 : vector<1x1x16xf32> to vector<16xf32>
        %mul3A_953 = arith.constant 8.000000e+00 : f32
        %mul3A_954 = vector.broadcast %mul3A_953 : f32 to vector<16xf32>
        %mul3A_955 = arith.mulf %get3A_952, %mul3A_954 : vector<16xf32>
        %swap3A_956 = arith.index_cast %rem3A_73 : i32 to index
        %swap3A_957 = arith.index_cast %add3A_943 : i32 to index
        %swap3A_958 = arith.constant 0 : index
        %swap3A_959 = tpu.vector_load %arg8[%swap3A_956, %swap3A_957, %swap3A_958] {strides = array<i32>} : memref<2x200x64xf32, #tpu.memory_space<vmem>>, vector<1x1x16xf32>,
        %swap3A_960 = vector.shape_cast %swap3A_959 : vector<1x1x16xf32> to vector<16xf32>
        %swap3A_961 = vector.shape_cast %mul3A_955 : vector<16xf32> to vector<1x1x16xf32>
        tpu.vector_store %arg8[%swap3A_956, %swap3A_957, %swap3A_958], %swap3A_961 {strides = array<i32>} : memref<2x200x64xf32, #tpu.memory_space<vmem>>, vector<1x1x16xf32>,
        %add3A_962 = arith.constant 16 : i32
        %add3A_963 = arith.addi %squeeze3A_945, %add3A_962 : i32
        %get3A_964 = arith.index_cast %rem3A_73 : i32 to index
        %get3A_965 = arith.index_cast %add3A_943 : i32 to index
        %get3A_966 = arith.index_cast %add3A_963 : i32 to index
        %get3A_967 = tpu.vector_load %arg7[%get3A_964, %get3A_965, %get3A_966] {strides = array<i32>} : memref<2x200x128xf32, #tpu.memory_space<vmem>>, vector<1x1x16xf32>,
        %get3A_968 = vector.shape_cast %get3A_967 : vector<1x1x16xf32> to vector<16xf32>
        %mul3A_969 = arith.constant 8.000000e+00 : f32
        %mul3A_970 = vector.broadcast %mul3A_969 : f32 to vector<16xf32>
        %mul3A_971 = arith.mulf %get3A_968, %mul3A_970 : vector<16xf32>
        %swap3A_972 = arith.index_cast %rem3A_73 : i32 to index
        %swap3A_973 = arith.index_cast %add3A_943 : i32 to index
        %swap3A_974 = arith.constant 16 : index
        %swap3A_975 = tpu.vector_load %arg8[%swap3A_972, %swap3A_973, %swap3A_974] {strides = array<i32>} : memref<2x200x64xf32, #tpu.memory_space<vmem>>, vector<1x1x16xf32>,
        %swap3A_976 = vector.shape_cast %swap3A_975 : vector<1x1x16xf32> to vector<16xf32>
        %swap3A_977 = vector.shape_cast %mul3A_971 : vector<16xf32> to vector<1x1x16xf32>
        tpu.vector_store %arg8[%swap3A_972, %swap3A_973, %swap3A_974], %swap3A_977 {strides = array<i32>} : memref<2x200x64xf32, #tpu.memory_space<vmem>>, vector<1x1x16xf32>,
        %add3A_978 = arith.constant 32 : i32
        %add3A_979 = arith.addi %squeeze3A_945, %add3A_978 : i32
        %get3A_980 = arith.index_cast %rem3A_73 : i32 to index
        %get3A_981 = arith.index_cast %add3A_943 : i32 to index
        %get3A_982 = arith.index_cast %add3A_979 : i32 to index
        %get3A_983 = tpu.vector_load %arg7[%get3A_980, %get3A_981, %get3A_982] {strides = array<i32>} : memref<2x200x128xf32, #tpu.memory_space<vmem>>, vector<1x1x16xf32>,
        %get3A_984 = vector.shape_cast %get3A_983 : vector<1x1x16xf32> to vector<16xf32>
        %mul3A_985 = arith.constant 8.000000e+00 : f32
        %mul3A_986 = vector.broadcast %mul3A_985 : f32 to vector<16xf32>
        %mul3A_987 = arith.mulf %get3A_984, %mul3A_986 : vector<16xf32>
        %swap3A_988 = arith.index_cast %rem3A_73 : i32 to index
        %swap3A_989 = arith.index_cast %add3A_943 : i32 to index
        %swap3A_990 = arith.constant 32 : index
        %swap3A_991 = tpu.vector_load %arg8[%swap3A_988, %swap3A_989, %swap3A_990] {strides = array<i32>} : memref<2x200x64xf32, #tpu.memory_space<vmem>>, vector<1x1x16xf32>,
        %swap3A_992 = vector.shape_cast %swap3A_991 : vector<1x1x16xf32> to vector<16xf32>
        %swap3A_993 = vector.shape_cast %mul3A_987 : vector<16xf32> to vector<1x1x16xf32>
        tpu.vector_store %arg8[%swap3A_988, %swap3A_989, %swap3A_990], %swap3A_993 {strides = array<i32>} : memref<2x200x64xf32, #tpu.memory_space<vmem>>, vector<1x1x16xf32>,
        %add3A_994 = arith.constant 48 : i32
        %add3A_995 = arith.addi %squeeze3A_945, %add3A_994 : i32
        %get3A_996 = arith.index_cast %rem3A_73 : i32 to index
        %get3A_997 = arith.index_cast %add3A_943 : i32 to index
        %get3A_998 = arith.index_cast %add3A_995 : i32 to index
        %get3A_999 = tpu.vector_load %arg7[%get3A_996, %get3A_997, %get3A_998] {strides = array<i32>} : memref<2x200x128xf32, #tpu.memory_space<vmem>>, vector<1x1x16xf32>,
        %get3A_1000 = vector.shape_cast %get3A_999 : vector<1x1x16xf32> to vector<16xf32>
        %mul3A_1001 = arith.constant 8.000000e+00 : f32
        %mul3A_1002 = vector.broadcast %mul3A_1001 : f32 to vector<16xf32>
        %mul3A_1003 = arith.mulf %get3A_1000, %mul3A_1002 : vector<16xf32>
        %swap3A_1004 = arith.index_cast %rem3A_73 : i32 to index
        %swap3A_1005 = arith.index_cast %add3A_943 : i32 to index
        %swap3A_1006 = arith.constant 48 : index
        %swap3A_1007 = tpu.vector_load %arg8[%swap3A_1004, %swap3A_1005, %swap3A_1006] {strides = array<i32>} : memref<2x200x64xf32, #tpu.memory_space<vmem>>, vector<1x1x16xf32>,
        %swap3A_1008 = vector.shape_cast %swap3A_1007 : vector<1x1x16xf32> to vector<16xf32>
        %swap3A_1009 = vector.shape_cast %mul3A_1003 : vector<16xf32> to vector<1x1x16xf32>
        tpu.vector_store %arg8[%swap3A_1004, %swap3A_1005, %swap3A_1006], %swap3A_1009 {strides = array<i32>} : memref<2x200x64xf32, #tpu.memory_space<vmem>>, vector<1x1x16xf32>,
        %add3A_1010 = arith.constant 13 : i32
        %add3A_1011 = arith.addi %min3A_118, %add3A_1010 : i32
        %slice3A_1012 = vector.extract_strided_slice %mul3A_128 {offsets = [13], sizes = [1], strides = [1]} : vector<16xi32> to vector<1xi32>
        %squeeze3A_1013 = vector.extract %slice3A_1012[0] : i32 from vector<1xi32>
        %add3A_1014 = arith.constant 0 : i32
        %add3A_1015 = arith.addi %squeeze3A_1013, %add3A_1014 : i32
        %get3A_1016 = arith.index_cast %rem3A_73 : i32 to index
        %get3A_1017 = arith.index_cast %add3A_1011 : i32 to index
        %get3A_1018 = arith.index_cast %add3A_1015 : i32 to index
        %get3A_1019 = tpu.vector_load %arg7[%get3A_1016, %get3A_1017, %get3A_1018] {strides = array<i32>} : memref<2x200x128xf32, #tpu.memory_space<vmem>>, vector<1x1x16xf32>,
        %get3A_1020 = vector.shape_cast %get3A_1019 : vector<1x1x16xf32> to vector<16xf32>
        %mul3A_1021 = arith.constant 8.000000e+00 : f32
        %mul3A_1022 = vector.broadcast %mul3A_1021 : f32 to vector<16xf32>
        %mul3A_1023 = arith.mulf %get3A_1020, %mul3A_1022 : vector<16xf32>
        %swap3A_1024 = arith.index_cast %rem3A_73 : i32 to index
        %swap3A_1025 = arith.index_cast %add3A_1011 : i32 to index
        %swap3A_1026 = arith.constant 0 : index
        %swap3A_1027 = tpu.vector_load %arg8[%swap3A_1024, %swap3A_1025, %swap3A_1026] {strides = array<i32>} : memref<2x200x64xf32, #tpu.memory_space<vmem>>, vector<1x1x16xf32>,
        %swap3A_1028 = vector.shape_cast %swap3A_1027 : vector<1x1x16xf32> to vector<16xf32>
        %swap3A_1029 = vector.shape_cast %mul3A_1023 : vector<16xf32> to vector<1x1x16xf32>
        tpu.vector_store %arg8[%swap3A_1024, %swap3A_1025, %swap3A_1026], %swap3A_1029 {strides = array<i32>} : memref<2x200x64xf32, #tpu.memory_space<vmem>>, vector<1x1x16xf32>,
        %add3A_1030 = arith.constant 16 : i32
        %add3A_1031 = arith.addi %squeeze3A_1013, %add3A_1030 : i32
        %get3A_1032 = arith.index_cast %rem3A_73 : i32 to index
        %get3A_1033 = arith.index_cast %add3A_1011 : i32 to index
        %get3A_1034 = arith.index_cast %add3A_1031 : i32 to index
        %get3A_1035 = tpu.vector_load %arg7[%get3A_1032, %get3A_1033, %get3A_1034] {strides = array<i32>} : memref<2x200x128xf32, #tpu.memory_space<vmem>>, vector<1x1x16xf32>,
        %get3A_1036 = vector.shape_cast %get3A_1035 : vector<1x1x16xf32> to vector<16xf32>
        %mul3A_1037 = arith.constant 8.000000e+00 : f32
        %mul3A_1038 = vector.broadcast %mul3A_1037 : f32 to vector<16xf32>
        %mul3A_1039 = arith.mulf %get3A_1036, %mul3A_1038 : vector<16xf32>
        %swap3A_1040 = arith.index_cast %rem3A_73 : i32 to index
        %swap3A_1041 = arith.index_cast %add3A_1011 : i32 to index
        %swap3A_1042 = arith.constant 16 : index
        %swap3A_1043 = tpu.vector_load %arg8[%swap3A_1040, %swap3A_1041, %swap3A_1042] {strides = array<i32>} : memref<2x200x64xf32, #tpu.memory_space<vmem>>, vector<1x1x16xf32>,
        %swap3A_1044 = vector.shape_cast %swap3A_1043 : vector<1x1x16xf32> to vector<16xf32>
        %swap3A_1045 = vector.shape_cast %mul3A_1039 : vector<16xf32> to vector<1x1x16xf32>
        tpu.vector_store %arg8[%swap3A_1040, %swap3A_1041, %swap3A_1042], %swap3A_1045 {strides = array<i32>} : memref<2x200x64xf32, #tpu.memory_space<vmem>>, vector<1x1x16xf32>,
        %add3A_1046 = arith.constant 32 : i32
        %add3A_1047 = arith.addi %squeeze3A_1013, %add3A_1046 : i32
        %get3A_1048 = arith.index_cast %rem3A_73 : i32 to index
        %get3A_1049 = arith.index_cast %add3A_1011 : i32 to index
        %get3A_1050 = arith.index_cast %add3A_1047 : i32 to index
        %get3A_1051 = tpu.vector_load %arg7[%get3A_1048, %get3A_1049, %get3A_1050] {strides = array<i32>} : memref<2x200x128xf32, #tpu.memory_space<vmem>>, vector<1x1x16xf32>,
        %get3A_1052 = vector.shape_cast %get3A_1051 : vector<1x1x16xf32> to vector<16xf32>
        %mul3A_1053 = arith.constant 8.000000e+00 : f32
        %mul3A_1054 = vector.broadcast %mul3A_1053 : f32 to vector<16xf32>
        %mul3A_1055 = arith.mulf %get3A_1052, %mul3A_1054 : vector<16xf32>
        %swap3A_1056 = arith.index_cast %rem3A_73 : i32 to index
        %swap3A_1057 = arith.index_cast %add3A_1011 : i32 to index
        %swap3A_1058 = arith.constant 32 : index
        %swap3A_1059 = tpu.vector_load %arg8[%swap3A_1056, %swap3A_1057, %swap3A_1058] {strides = array<i32>} : memref<2x200x64xf32, #tpu.memory_space<vmem>>, vector<1x1x16xf32>,
        %swap3A_1060 = vector.shape_cast %swap3A_1059 : vector<1x1x16xf32> to vector<16xf32>
        %swap3A_1061 = vector.shape_cast %mul3A_1055 : vector<16xf32> to vector<1x1x16xf32>
        tpu.vector_store %arg8[%swap3A_1056, %swap3A_1057, %swap3A_1058], %swap3A_1061 {strides = array<i32>} : memref<2x200x64xf32, #tpu.memory_space<vmem>>, vector<1x1x16xf32>,
        %add3A_1062 = arith.constant 48 : i32
        %add3A_1063 = arith.addi %squeeze3A_1013, %add3A_1062 : i32
        %get3A_1064 = arith.index_cast %rem3A_73 : i32 to index
        %get3A_1065 = arith.index_cast %add3A_1011 : i32 to index
        %get3A_1066 = arith.index_cast %add3A_1063 : i32 to index
        %get3A_1067 = tpu.vector_load %arg7[%get3A_1064, %get3A_1065, %get3A_1066] {strides = array<i32>} : memref<2x200x128xf32, #tpu.memory_space<vmem>>, vector<1x1x16xf32>,
        %get3A_1068 = vector.shape_cast %get3A_1067 : vector<1x1x16xf32> to vector<16xf32>
        %mul3A_1069 = arith.constant 8.000000e+00 : f32
        %mul3A_1070 = vector.broadcast %mul3A_1069 : f32 to vector<16xf32>
        %mul3A_1071 = arith.mulf %get3A_1068, %mul3A_1070 : vector<16xf32>
        %swap3A_1072 = arith.index_cast %rem3A_73 : i32 to index
        %swap3A_1073 = arith.index_cast %add3A_1011 : i32 to index
        %swap3A_1074 = arith.constant 48 : index
        %swap3A_1075 = tpu.vector_load %arg8[%swap3A_1072, %swap3A_1073, %swap3A_1074] {strides = array<i32>} : memref<2x200x64xf32, #tpu.memory_space<vmem>>, vector<1x1x16xf32>,
        %swap3A_1076 = vector.shape_cast %swap3A_1075 : vector<1x1x16xf32> to vector<16xf32>
        %swap3A_1077 = vector.shape_cast %mul3A_1071 : vector<16xf32> to vector<1x1x16xf32>
        tpu.vector_store %arg8[%swap3A_1072, %swap3A_1073, %swap3A_1074], %swap3A_1077 {strides = array<i32>} : memref<2x200x64xf32, #tpu.memory_space<vmem>>, vector<1x1x16xf32>,
        %add3A_1078 = arith.constant 14 : i32
        %add3A_1079 = arith.addi %min3A_118, %add3A_1078 : i32
        %slice3A_1080 = vector.extract_strided_slice %mul3A_128 {offsets = [14], sizes = [1], strides = [1]} : vector<16xi32> to vector<1xi32>
        %squeeze3A_1081 = vector.extract %slice3A_1080[0] : i32 from vector<1xi32>
        %add3A_1082 = arith.constant 0 : i32
        %add3A_1083 = arith.addi %squeeze3A_1081, %add3A_1082 : i32
        %get3A_1084 = arith.index_cast %rem3A_73 : i32 to index
        %get3A_1085 = arith.index_cast %add3A_1079 : i32 to index
        %get3A_1086 = arith.index_cast %add3A_1083 : i32 to index
        %get3A_1087 = tpu.vector_load %arg7[%get3A_1084, %get3A_1085, %get3A_1086] {strides = array<i32>} : memref<2x200x128xf32, #tpu.memory_space<vmem>>, vector<1x1x16xf32>,
        %get3A_1088 = vector.shape_cast %get3A_1087 : vector<1x1x16xf32> to vector<16xf32>
        %mul3A_1089 = arith.constant 8.000000e+00 : f32
        %mul3A_1090 = vector.broadcast %mul3A_1089 : f32 to vector<16xf32>
        %mul3A_1091 = arith.mulf %get3A_1088, %mul3A_1090 : vector<16xf32>
        %swap3A_1092 = arith.index_cast %rem3A_73 : i32 to index
        %swap3A_1093 = arith.index_cast %add3A_1079 : i32 to index
        %swap3A_1094 = arith.constant 0 : index
        %swap3A_1095 = tpu.vector_load %arg8[%swap3A_1092, %swap3A_1093, %swap3A_1094] {strides = array<i32>} : memref<2x200x64xf32, #tpu.memory_space<vmem>>, vector<1x1x16xf32>,
        %swap3A_1096 = vector.shape_cast %swap3A_1095 : vector<1x1x16xf32> to vector<16xf32>
        %swap3A_1097 = vector.shape_cast %mul3A_1091 : vector<16xf32> to vector<1x1x16xf32>
        tpu.vector_store %arg8[%swap3A_1092, %swap3A_1093, %swap3A_1094], %swap3A_1097 {strides = array<i32>} : memref<2x200x64xf32, #tpu.memory_space<vmem>>, vector<1x1x16xf32>,
        %add3A_1098 = arith.constant 16 : i32
        %add3A_1099 = arith.addi %squeeze3A_1081, %add3A_1098 : i32
        %get3A_1100 = arith.index_cast %rem3A_73 : i32 to index
        %get3A_1101 = arith.index_cast %add3A_1079 : i32 to index
        %get3A_1102 = arith.index_cast %add3A_1099 : i32 to index
        %get3A_1103 = tpu.vector_load %arg7[%get3A_1100, %get3A_1101, %get3A_1102] {strides = array<i32>} : memref<2x200x128xf32, #tpu.memory_space<vmem>>, vector<1x1x16xf32>,
        %get3A_1104 = vector.shape_cast %get3A_1103 : vector<1x1x16xf32> to vector<16xf32>
        %mul3A_1105 = arith.constant 8.000000e+00 : f32
        %mul3A_1106 = vector.broadcast %mul3A_1105 : f32 to vector<16xf32>
        %mul3A_1107 = arith.mulf %get3A_1104, %mul3A_1106 : vector<16xf32>
        %swap3A_1108 = arith.index_cast %rem3A_73 : i32 to index
        %swap3A_1109 = arith.index_cast %add3A_1079 : i32 to index
        %swap3A_1110 = arith.constant 16 : index
        %swap3A_1111 = tpu.vector_load %arg8[%swap3A_1108, %swap3A_1109, %swap3A_1110] {strides = array<i32>} : memref<2x200x64xf32, #tpu.memory_space<vmem>>, vector<1x1x16xf32>,
        %swap3A_1112 = vector.shape_cast %swap3A_1111 : vector<1x1x16xf32> to vector<16xf32>
        %swap3A_1113 = vector.shape_cast %mul3A_1107 : vector<16xf32> to vector<1x1x16xf32>
        tpu.vector_store %arg8[%swap3A_1108, %swap3A_1109, %swap3A_1110], %swap3A_1113 {strides = array<i32>} : memref<2x200x64xf32, #tpu.memory_space<vmem>>, vector<1x1x16xf32>,
        %add3A_1114 = arith.constant 32 : i32
        %add3A_1115 = arith.addi %squeeze3A_1081, %add3A_1114 : i32
        %get3A_1116 = arith.index_cast %rem3A_73 : i32 to index
        %get3A_1117 = arith.index_cast %add3A_1079 : i32 to index
        %get3A_1118 = arith.index_cast %add3A_1115 : i32 to index
        %get3A_1119 = tpu.vector_load %arg7[%get3A_1116, %get3A_1117, %get3A_1118] {strides = array<i32>} : memref<2x200x128xf32, #tpu.memory_space<vmem>>, vector<1x1x16xf32>,
        %get3A_1120 = vector.shape_cast %get3A_1119 : vector<1x1x16xf32> to vector<16xf32>
        %mul3A_1121 = arith.constant 8.000000e+00 : f32
        %mul3A_1122 = vector.broadcast %mul3A_1121 : f32 to vector<16xf32>
        %mul3A_1123 = arith.mulf %get3A_1120, %mul3A_1122 : vector<16xf32>
        %swap3A_1124 = arith.index_cast %rem3A_73 : i32 to index
        %swap3A_1125 = arith.index_cast %add3A_1079 : i32 to index
        %swap3A_1126 = arith.constant 32 : index
        %swap3A_1127 = tpu.vector_load %arg8[%swap3A_1124, %swap3A_1125, %swap3A_1126] {strides = array<i32>} : memref<2x200x64xf32, #tpu.memory_space<vmem>>, vector<1x1x16xf32>,
        %swap3A_1128 = vector.shape_cast %swap3A_1127 : vector<1x1x16xf32> to vector<16xf32>
        %swap3A_1129 = vector.shape_cast %mul3A_1123 : vector<16xf32> to vector<1x1x16xf32>
        tpu.vector_store %arg8[%swap3A_1124, %swap3A_1125, %swap3A_1126], %swap3A_1129 {strides = array<i32>} : memref<2x200x64xf32, #tpu.memory_space<vmem>>, vector<1x1x16xf32>,
        %add3A_1130 = arith.constant 48 : i32
        %add3A_1131 = arith.addi %squeeze3A_1081, %add3A_1130 : i32
        %get3A_1132 = arith.index_cast %rem3A_73 : i32 to index
        %get3A_1133 = arith.index_cast %add3A_1079 : i32 to index
        %get3A_1134 = arith.index_cast %add3A_1131 : i32 to index
        %get3A_1135 = tpu.vector_load %arg7[%get3A_1132, %get3A_1133, %get3A_1134] {strides = array<i32>} : memref<2x200x128xf32, #tpu.memory_space<vmem>>, vector<1x1x16xf32>,
        %get3A_1136 = vector.shape_cast %get3A_1135 : vector<1x1x16xf32> to vector<16xf32>
        %mul3A_1137 = arith.constant 8.000000e+00 : f32
        %mul3A_1138 = vector.broadcast %mul3A_1137 : f32 to vector<16xf32>
        %mul3A_1139 = arith.mulf %get3A_1136, %mul3A_1138 : vector<16xf32>
        %swap3A_1140 = arith.index_cast %rem3A_73 : i32 to index
        %swap3A_1141 = arith.index_cast %add3A_1079 : i32 to index
        %swap3A_1142 = arith.constant 48 : index
        %swap3A_1143 = tpu.vector_load %arg8[%swap3A_1140, %swap3A_1141, %swap3A_1142] {strides = array<i32>} : memref<2x200x64xf32, #tpu.memory_space<vmem>>, vector<1x1x16xf32>,
        %swap3A_1144 = vector.shape_cast %swap3A_1143 : vector<1x1x16xf32> to vector<16xf32>
        %swap3A_1145 = vector.shape_cast %mul3A_1139 : vector<16xf32> to vector<1x1x16xf32>
        tpu.vector_store %arg8[%swap3A_1140, %swap3A_1141, %swap3A_1142], %swap3A_1145 {strides = array<i32>} : memref<2x200x64xf32, #tpu.memory_space<vmem>>, vector<1x1x16xf32>,
        %add3A_1146 = arith.constant 15 : i32
        %add3A_1147 = arith.addi %min3A_118, %add3A_1146 : i32
        %slice3A_1148 = vector.extract_strided_slice %mul3A_128 {offsets = [15], sizes = [1], strides = [1]} : vector<16xi32> to vector<1xi32>
        %squeeze3A_1149 = vector.extract %slice3A_1148[0] : i32 from vector<1xi32>
        %add3A_1150 = arith.constant 0 : i32
        %add3A_1151 = arith.addi %squeeze3A_1149, %add3A_1150 : i32
        %get3A_1152 = arith.index_cast %rem3A_73 : i32 to index
        %get3A_1153 = arith.index_cast %add3A_1147 : i32 to index
        %get3A_1154 = arith.index_cast %add3A_1151 : i32 to index
        %get3A_1155 = tpu.vector_load %arg7[%get3A_1152, %get3A_1153, %get3A_1154] {strides = array<i32>} : memref<2x200x128xf32, #tpu.memory_space<vmem>>, vector<1x1x16xf32>,
        %get3A_1156 = vector.shape_cast %get3A_1155 : vector<1x1x16xf32> to vector<16xf32>
        %mul3A_1157 = arith.constant 8.000000e+00 : f32
        %mul3A_1158 = vector.broadcast %mul3A_1157 : f32 to vector<16xf32>
        %mul3A_1159 = arith.mulf %get3A_1156, %mul3A_1158 : vector<16xf32>
        %swap3A_1160 = arith.index_cast %rem3A_73 : i32 to index
        %swap3A_1161 = arith.index_cast %add3A_1147 : i32 to index
        %swap3A_1162 = arith.constant 0 : index
        %swap3A_1163 = tpu.vector_load %arg8[%swap3A_1160, %swap3A_1161, %swap3A_1162] {strides = array<i32>} : memref<2x200x64xf32, #tpu.memory_space<vmem>>, vector<1x1x16xf32>,
        %swap3A_1164 = vector.shape_cast %swap3A_1163 : vector<1x1x16xf32> to vector<16xf32>
        %swap3A_1165 = vector.shape_cast %mul3A_1159 : vector<16xf32> to vector<1x1x16xf32>
        tpu.vector_store %arg8[%swap3A_1160, %swap3A_1161, %swap3A_1162], %swap3A_1165 {strides = array<i32>} : memref<2x200x64xf32, #tpu.memory_space<vmem>>, vector<1x1x16xf32>,
        %add3A_1166 = arith.constant 16 : i32
        %add3A_1167 = arith.addi %squeeze3A_1149, %add3A_1166 : i32
        %get3A_1168 = arith.index_cast %rem3A_73 : i32 to index
        %get3A_1169 = arith.index_cast %add3A_1147 : i32 to index
        %get3A_1170 = arith.index_cast %add3A_1167 : i32 to index
        %get3A_1171 = tpu.vector_load %arg7[%get3A_1168, %get3A_1169, %get3A_1170] {strides = array<i32>} : memref<2x200x128xf32, #tpu.memory_space<vmem>>, vector<1x1x16xf32>,
        %get3A_1172 = vector.shape_cast %get3A_1171 : vector<1x1x16xf32> to vector<16xf32>
        %mul3A_1173 = arith.constant 8.000000e+00 : f32
        %mul3A_1174 = vector.broadcast %mul3A_1173 : f32 to vector<16xf32>
        %mul3A_1175 = arith.mulf %get3A_1172, %mul3A_1174 : vector<16xf32>
        %swap3A_1176 = arith.index_cast %rem3A_73 : i32 to index
        %swap3A_1177 = arith.index_cast %add3A_1147 : i32 to index
        %swap3A_1178 = arith.constant 16 : index
        %swap3A_1179 = tpu.vector_load %arg8[%swap3A_1176, %swap3A_1177, %swap3A_1178] {strides = array<i32>} : memref<2x200x64xf32, #tpu.memory_space<vmem>>, vector<1x1x16xf32>,
        %swap3A_1180 = vector.shape_cast %swap3A_1179 : vector<1x1x16xf32> to vector<16xf32>
        %swap3A_1181 = vector.shape_cast %mul3A_1175 : vector<16xf32> to vector<1x1x16xf32>
        tpu.vector_store %arg8[%swap3A_1176, %swap3A_1177, %swap3A_1178], %swap3A_1181 {strides = array<i32>} : memref<2x200x64xf32, #tpu.memory_space<vmem>>, vector<1x1x16xf32>,
        %add3A_1182 = arith.constant 32 : i32
        %add3A_1183 = arith.addi %squeeze3A_1149, %add3A_1182 : i32
        %get3A_1184 = arith.index_cast %rem3A_73 : i32 to index
        %get3A_1185 = arith.index_cast %add3A_1147 : i32 to index
        %get3A_1186 = arith.index_cast %add3A_1183 : i32 to index
        %get3A_1187 = tpu.vector_load %arg7[%get3A_1184, %get3A_1185, %get3A_1186] {strides = array<i32>} : memref<2x200x128xf32, #tpu.memory_space<vmem>>, vector<1x1x16xf32>,
        %get3A_1188 = vector.shape_cast %get3A_1187 : vector<1x1x16xf32> to vector<16xf32>
        %mul3A_1189 = arith.constant 8.000000e+00 : f32
        %mul3A_1190 = vector.broadcast %mul3A_1189 : f32 to vector<16xf32>
        %mul3A_1191 = arith.mulf %get3A_1188, %mul3A_1190 : vector<16xf32>
        %swap3A_1192 = arith.index_cast %rem3A_73 : i32 to index
        %swap3A_1193 = arith.index_cast %add3A_1147 : i32 to index
        %swap3A_1194 = arith.constant 32 : index
        %swap3A_1195 = tpu.vector_load %arg8[%swap3A_1192, %swap3A_1193, %swap3A_1194] {strides = array<i32>} : memref<2x200x64xf32, #tpu.memory_space<vmem>>, vector<1x1x16xf32>,
        %swap3A_1196 = vector.shape_cast %swap3A_1195 : vector<1x1x16xf32> to vector<16xf32>
        %swap3A_1197 = vector.shape_cast %mul3A_1191 : vector<16xf32> to vector<1x1x16xf32>
        tpu.vector_store %arg8[%swap3A_1192, %swap3A_1193, %swap3A_1194], %swap3A_1197 {strides = array<i32>} : memref<2x200x64xf32, #tpu.memory_space<vmem>>, vector<1x1x16xf32>,
        %add3A_1198 = arith.constant 48 : i32
        %add3A_1199 = arith.addi %squeeze3A_1149, %add3A_1198 : i32
        %get3A_1200 = arith.index_cast %rem3A_73 : i32 to index
        %get3A_1201 = arith.index_cast %add3A_1147 : i32 to index
        %get3A_1202 = arith.index_cast %add3A_1199 : i32 to index
        %get3A_1203 = tpu.vector_load %arg7[%get3A_1200, %get3A_1201, %get3A_1202] {strides = array<i32>} : memref<2x200x128xf32, #tpu.memory_space<vmem>>, vector<1x1x16xf32>,
        %get3A_1204 = vector.shape_cast %get3A_1203 : vector<1x1x16xf32> to vector<16xf32>
        %mul3A_1205 = arith.constant 8.000000e+00 : f32
        %mul3A_1206 = vector.broadcast %mul3A_1205 : f32 to vector<16xf32>
        %mul3A_1207 = arith.mulf %get3A_1204, %mul3A_1206 : vector<16xf32>
        %swap3A_1208 = arith.index_cast %rem3A_73 : i32 to index
        %swap3A_1209 = arith.index_cast %add3A_1147 : i32 to index
        %swap3A_1210 = arith.constant 48 : index
        %swap3A_1211 = tpu.vector_load %arg8[%swap3A_1208, %swap3A_1209, %swap3A_1210] {strides = array<i32>} : memref<2x200x64xf32, #tpu.memory_space<vmem>>, vector<1x1x16xf32>,
        %swap3A_1212 = vector.shape_cast %swap3A_1211 : vector<1x1x16xf32> to vector<16xf32>
        %swap3A_1213 = vector.shape_cast %mul3A_1207 : vector<16xf32> to vector<1x1x16xf32>
        tpu.vector_store %arg8[%swap3A_1208, %swap3A_1209, %swap3A_1210], %swap3A_1213 {strides = array<i32>} : memref<2x200x64xf32, #tpu.memory_space<vmem>>, vector<1x1x16xf32>,
      }
      %scan3A_91 = arith.constant 13 : i32
      %add3A_92 = arith.constant 2 : i32
      %add3A_93 = arith.addi %scan3A_72, %add3A_92 : i32
      %lt3A = arith.constant 32 : i32
      %lt3A_94 = arith.cmpi slt, %add3A_93, %lt3A : i32
      %convert_element_type3A_95 = arith.extui %lt3A_94 : i1 to i32
      %cond3A_96 = arith.constant 0 : i32
      %cond3A_97 = arith.cmpi ne, %convert_element_type3A_95, %cond3A_96 : i32
      scf.if %cond3A_97 {
        %add3A_115 = arith.constant 2 : i32
        %add3A_116 = arith.addi %scan3A_72, %add3A_115 : i32
        %mul3A_117 = arith.constant 200 : i32
        %mul3A_118 = arith.muli %add3A_116, %mul3A_117 : i32
        %dma_start3A_119 = arith.constant 0 : i32
        %dma_start3A_120 = arith.constant 0 : i32
        %dma_start3A_121 = tpu.memref_slice %arg7[%rem3A_73, %dma_start3A_119, %dma_start3A_120] : memref<2x200x128xf32, #tpu.memory_space<vmem>> -> memref<1x200x128xf32, #tpu.memory_space<vmem>>
        %dma_start3A_122 = tpu.memref_squeeze %dma_start3A_121 : memref<1x200x128xf32, #tpu.memory_space<vmem>> -> memref<200x128xf32, #tpu.memory_space<vmem>>
        %dma_start3A_123 = tpu.memref_slice %arg6[%mul3A_118] : memref<6400xi32, #tpu.memory_space<vmem>> -> memref<200xi32, #tpu.memory_space<vmem>>
        %dma_start3A_124 = arith.constant 0 : i32
        %dma_start3A_125 = arith.constant 0 : i32
        %dma_start3A_126 = tpu.memref_slice %arg3[%dma_start3A_124, %dma_start3A_125] : memref<500000x128xf32, #tpu.memory_space<hbm>> -> memref<500000x128xf32, #tpu.memory_space<hbm>>
        tpu.enqueue_indirect_dma source(%dma_start3A_126 : memref<500000x128xf32, #tpu.memory_space<hbm>>) target(%dma_start3A_122 : memref<200x128xf32, #tpu.memory_space<vmem>>) offsets(%dma_start3A_123 : memref<200xi32, #tpu.memory_space<vmem>>) semaphore(%arg9 : memref<!tpu.dma_semaphore, #tpu.memory_space<semaphore_mem>>)
      } else {
      }
      %add3A_98 = arith.addi %mul3A_2, %scan3A_72 : i32
      %dma_start3A_99 = arith.constant 0 : i32
      %dma_start3A_100 = arith.constant 0 : i32
      %dma_start3A_101 = tpu.memref_slice %arg8[%rem3A_73, %dma_start3A_99, %dma_start3A_100] : memref<2x200x64xf32, #tpu.memory_space<vmem>> -> memref<1x200x64xf32, #tpu.memory_space<vmem>>
      %dma_start3A_102 = tpu.memref_squeeze %dma_start3A_101 : memref<1x200x64xf32, #tpu.memory_space<vmem>> -> memref<200x64xf32, #tpu.memory_space<vmem>>
      %dma_start3A_103 = arith.constant 0 : i32
      %dma_start3A_104 = arith.constant 0 : i32
      %dma_start3A_105 = tpu.memref_slice %arg4[%add3A_98, %dma_start3A_103, %dma_start3A_104] : memref<1024x200x64xf32, #tpu.memory_space<hbm>> -> memref<1x200x64xf32, #tpu.memory_space<hbm>>
      %dma_start3A_106 = tpu.memref_squeeze %dma_start3A_105 : memref<1x200x64xf32, #tpu.memory_space<hbm>> -> memref<200x64xf32, #tpu.memory_space<hbm>>
      %dma_start3A_107 = arith.constant 0 : i32
      %dma_start3A_108 = arith.constant 0 : i32
      %dma_start3A_109 = tpu.memref_slice %arg4[%add3A_98, %dma_start3A_107, %dma_start3A_108] : memref<1024x200x64xf32, #tpu.memory_space<hbm>> -> memref<1x200x64xf32, #tpu.memory_space<hbm>>
      %dma_start3A_110 = tpu.memref_squeeze %dma_start3A_109 : memref<1x200x64xf32, #tpu.memory_space<hbm>> -> memref<200x64xf32, #tpu.memory_space<hbm>>
      %dma_start3A_111 = arith.constant 0 : i32
      %dma_start3A_112 = arith.constant 0 : i32
      %dma_start3A_113 = tpu.memref_slice %arg8[%rem3A_73, %dma_start3A_111, %dma_start3A_112] : memref<2x200x64xf32, #tpu.memory_space<vmem>> -> memref<1x200x64xf32, #tpu.memory_space<vmem>>
      %dma_start3A_114 = tpu.memref_squeeze %dma_start3A_113 : memref<1x200x64xf32, #tpu.memory_space<vmem>> -> memref<200x64xf32, #tpu.memory_space<vmem>>
      tpu.enqueue_dma source(%dma_start3A_114 : memref<200x64xf32, #tpu.memory_space<vmem>>) target(%dma_start3A_110 : memref<200x64xf32, #tpu.memory_space<hbm>>) target_semaphore(%arg10 : memref<!tpu.dma_semaphore, #tpu.memory_space<semaphore_mem>>)
    }
    %scan3A_34 = arith.constant 32 : i32
    %add3A_35 = arith.constant 30 : i32
    %add3A_36 = arith.addi %mul3A_2, %add3A_35 : i32
    %dma_wait3A = arith.constant 0 : i32
    %dma_wait3A_37 = arith.constant 0 : i32
    %dma_wait3A_38 = arith.constant 0 : i32
    %dma_wait3A_39 = tpu.memref_slice %arg8[%dma_wait3A, %dma_wait3A_37, %dma_wait3A_38] : memref<2x200x64xf32, #tpu.memory_space<vmem>> -> memref<1x200x64xf32, #tpu.memory_space<vmem>>
    %dma_wait3A_40 = tpu.memref_squeeze %dma_wait3A_39 : memref<1x200x64xf32, #tpu.memory_space<vmem>> -> memref<200x64xf32, #tpu.memory_space<vmem>>
    %dma_wait3A_41 = arith.constant 0 : i32
    %dma_wait3A_42 = arith.constant 0 : i32
    %dma_wait3A_43 = tpu.memref_slice %arg4[%add3A_36, %dma_wait3A_41, %dma_wait3A_42] : memref<1024x200x64xf32, #tpu.memory_space<hbm>> -> memref<1x200x64xf32, #tpu.memory_space<hbm>>
    %dma_wait3A_44 = tpu.memref_squeeze %dma_wait3A_43 : memref<1x200x64xf32, #tpu.memory_space<hbm>> -> memref<200x64xf32, #tpu.memory_space<hbm>>
    %dma_wait3A_45 = arith.constant 0 : i32
    %dma_wait3A_46 = arith.constant 0 : i32
    %dma_wait3A_47 = tpu.memref_slice %arg4[%add3A_36, %dma_wait3A_45, %dma_wait3A_46] : memref<1024x200x64xf32, #tpu.memory_space<hbm>> -> memref<1x200x64xf32, #tpu.memory_space<hbm>>
    %dma_wait3A_48 = tpu.memref_squeeze %dma_wait3A_47 : memref<1x200x64xf32, #tpu.memory_space<hbm>> -> memref<200x64xf32, #tpu.memory_space<hbm>>
    %dma_wait3A_49 = arith.constant 0 : i32
    %dma_wait3A_50 = arith.constant 0 : i32
    %dma_wait3A_51 = tpu.memref_slice %arg8[%dma_wait3A, %dma_wait3A_49, %dma_wait3A_50] : memref<2x200x64xf32, #tpu.memory_space<vmem>> -> memref<1x200x64xf32, #tpu.memory_space<vmem>>
    %dma_wait3A_52 = tpu.memref_squeeze %dma_wait3A_51 : memref<1x200x64xf32, #tpu.memory_space<vmem>> -> memref<200x64xf32, #tpu.memory_space<vmem>>
    tpu.wait_dma2 semaphore(%arg10 : memref<!tpu.dma_semaphore, #tpu.memory_space<semaphore_mem>>) src(%dma_wait3A_52 : memref<200x64xf32, #tpu.memory_space<vmem>>) dst(%dma_wait3A_48 : memref<200x64xf32, #tpu.memory_space<hbm>>)
    %add3A_53 = arith.constant 31 : i32
    %add3A_54 = arith.addi %mul3A_2, %add3A_53 : i32
    %dma_wait3A_55 = arith.constant 1 : i32
    %dma_wait3A_56 = arith.constant 0 : i32
    %dma_wait3A_57 = arith.constant 0 : i32
    %dma_wait3A_58 = tpu.memref_slice %arg8[%dma_wait3A_55, %dma_wait3A_56, %dma_wait3A_57] : memref<2x200x64xf32, #tpu.memory_space<vmem>> -> memref<1x200x64xf32, #tpu.memory_space<vmem>>
    %dma_wait3A_59 = tpu.memref_squeeze %dma_wait3A_58 : memref<1x200x64xf32, #tpu.memory_space<vmem>> -> memref<200x64xf32, #tpu.memory_space<vmem>>
    %dma_wait3A_60 = arith.constant 0 : i32
    %dma_wait3A_61 = arith.constant 0 : i32
    %dma_wait3A_62 = tpu.memref_slice %arg4[%add3A_54, %dma_wait3A_60, %dma_wait3A_61] : memref<1024x200x64xf32, #tpu.memory_space<hbm>> -> memref<1x200x64xf32, #tpu.memory_space<hbm>>
    %dma_wait3A_63 = tpu.memref_squeeze %dma_wait3A_62 : memref<1x200x64xf32, #tpu.memory_space<hbm>> -> memref<200x64xf32, #tpu.memory_space<hbm>>
    %dma_wait3A_64 = arith.constant 0 : i32
    %dma_wait3A_65 = arith.constant 0 : i32
    %dma_wait3A_66 = tpu.memref_slice %arg4[%add3A_54, %dma_wait3A_64, %dma_wait3A_65] : memref<1024x200x64xf32, #tpu.memory_space<hbm>> -> memref<1x200x64xf32, #tpu.memory_space<hbm>>
    %dma_wait3A_67 = tpu.memref_squeeze %dma_wait3A_66 : memref<1x200x64xf32, #tpu.memory_space<hbm>> -> memref<200x64xf32, #tpu.memory_space<hbm>>
    %dma_wait3A_68 = arith.constant 0 : i32
    %dma_wait3A_69 = arith.constant 0 : i32
    %dma_wait3A_70 = tpu.memref_slice %arg8[%dma_wait3A_55, %dma_wait3A_68, %dma_wait3A_69] : memref<2x200x64xf32, #tpu.memory_space<vmem>> -> memref<1x200x64xf32, #tpu.memory_space<vmem>>
    %dma_wait3A_71 = tpu.memref_squeeze %dma_wait3A_70 : memref<1x200x64xf32, #tpu.memory_space<vmem>> -> memref<200x64xf32, #tpu.memory_space<vmem>>
    tpu.wait_dma2 semaphore(%arg10 : memref<!tpu.dma_semaphore, #tpu.memory_space<semaphore_mem>>) src(%dma_wait3A_71 : memref<200x64xf32, #tpu.memory_space<vmem>>) dst(%dma_wait3A_67 : memref<200x64xf32, #tpu.memory_space<hbm>>)
    return
  }
}

</mosaic_0001>

<sc_bundles>
// kernel: kernel.3.cloned.1.call-start
scs
__scs_entry_jumppad:
0x0: {  	(pc) =	sbr.rel $0x88, $3  }
0x1: {  	(tag) =	ssettag $0x0;
	lr =	simm.s32 $0x1  }
0x2: {  	[smem:$0x3F9F] =	sst lr;
	_ =	strace $0xD0000000  }
0x3: {  	_ = 	snop  }
0x4: {  	_ = 	snop  }
0x5: {  	_ = 	snop  }
0x6: {  	_ = 	snop  }
0x7: {  	_ = 	snop  }
__scs_overlays_trampoline_lowered:
0x8: {  	[smem:$0x3FAE] =	sst s0  }
0x9: {  	[smem:$0x3FAF] =	sst s1  }
0xa: {  	[smem:$0x3FB0] =	sst s2  }
0xb: {  	[smem:$0x3FB1] =	sst s3  }
0xc: {  	[smem:$0x3FB2] =	sst s4  }
0xd: {  	[smem:$0x3FB3] =	sst s5  }
0xe: {  	[smem:$0x3FB4] =	sst s6  }
0xf: {  	[smem:$0x3FB5] =	sst s7  }
0x10: {  	[smem:$0x3FB6] =	sst s8  }
0x11: {  	[smem:$0x3FB7] =	sst s9;
	s0 =	simm.s32 @!p0 $0x0  }
0x12: {  	s1 =	sld [smem:$0x3F9D];
	s0 =	simm.s32 @p0 $0x1  }
0x13: {  	[smem:$0x3FB8] =	sst s0;
	s0 =	simm.s32 @!p1 $0x0  }
0x14: {  	s2 =	sld [smem:$0x3F9C];
	s0 =	simm.s32 @p1 $0x1  }
0x15: {  	[smem:$0x3FB9] =	sst s0;
	s0 =	simm.s32 @!p2 $0x0  }
0x16: {  	s3 =	sld [smem:$0x3FDB];
	s0 =	simm.s32 @p2 $0x1  }
0x17: {  	s4 =	simm.s32 $0x1BF5;
	[smem:$0x3FBB] =	sst s0  }
0x18: {  	s0 =	sld [smem:$0x3F9E];
	_ =	swait.ge [sflag:s4], $0x0  }
0x19: {  	s7 =	sld [smem:$0x3F9F]  }
0x1a: {  	s8 =	sadd.s32 $0xFFFFE003, lr  }
0x1b: {  	s9 =	sadd.s32 $0xFFFFFEF7, lr;
	s5 =	simm.s32 $0xFFFFFFFF;
	p2 =	slt.u32 s8, $0xFFFFF086  }
0x1c: {  	p1 =	slt.u32 s9, $0xF7A;
	s5 =	simm.s32 @!p2 $0x0  }
0x1d: {  	s5 =	simm.s32 @p1 $0x1;
	p0 =	seq.s32 s7, s2  }
0x1e: {  	s7 =	smul.u32 @!p0 $0xF7A, s2;
	p2 =	seq.s32 @!p0 s5, $0x0  }
0x1f: {  	s9 =	smul.u32 $0xF7A, s1;
	s8 =	simm.s32 @!p0 $0x1BF5;
	p2 =	por !p2, p0  }
0x20: {  	[sflag:s8] =	ssyncset.s32 @!p0 $0xFFFFF086;
	s6 =	sadd.s32 @!p0 s3, s7;
	s7 =	simm.s32 @!p0 $0x108  }
0x21: {  	s3 =	sadd.s32 s3, s9;
	s6 =	sadd.s32 @!p0 $0x88, s6;
	s7 =	simm.s32 @p2 $0x1082  }
0x22: {  	[simem:s7], [sflag:s8] =	dma.local @!p0 [hbm:s6], $0xF7A  }
0x23: {  	s9 =	sor.u32 $0xD0000000, s2;
	s6 =	simm.s32 $0x108;
	_ =	swait.ge @!p0 [sflag:s8], $0x0  }
0x24: {  	s3 =	sadd.s32 $0x88, s3;
	s6 =	simm.s32 @!p1 $0x1082;
	[sflag:s4] =	ssyncset.s32 $0xFFFFF086  }
0x25: {  	[simem:s6], [sflag:s4] =	dma.local [hbm:s3], $0xF7A  }
0x26: {  	[smem:$0x3F9F] =	sst s1;
	(tag) =	ssettag s2;
	_ =	strace s9  }
0x27: {  	s1 =	sld [smem:$0x3FAF]  }
0x28: {  	s2 =	sld [smem:$0x3FB0]  }
0x29: {  	s4 =	sld [smem:$0x3FB2]  }
0x2a: {  	p0 =	seq.s32 s5, $0x0;
	s5 =	sld [smem:$0x3FB3]  }
0x2b: {  	s6 =	sld [smem:$0x3FB4]  }
0x2c: {  	s7 =	sld [smem:$0x3FB5]  }
0x2d: {  	s3 =	simm.s32 $0x108;
	s8 =	sld [smem:$0x3FB6]  }
0x2e: {  	s3 =	simm.s32 @!p0 $0x1082;
	s9 =	sld [smem:$0x3FB7]  }
0x2f: {  	lr =	sadd.s32 s0, s3;
	s0 =	sld [smem:$0x3FAE]  }
0x30: {  	s3 =	sld [smem:$0x3FB1]  }
0x31: {  	[smem:$0x3FBA] =	sst s10  }
0x32: {  	s10 =	sld [smem:$0x3FB8];
	_ =	sdelay $0x3  }
0x33: {  	p0 =	seq.s32 s10, $0x1;
	s10 =	sld [smem:$0x3FBA];
	_ =	sdelay $0x3  }
0x34: {  	[smem:$0x3FBA] =	sst s10  }
0x35: {  	s10 =	sld [smem:$0x3FB9];
	_ =	sdelay $0x3  }
0x36: {  	p1 =	seq.s32 s10, $0x1;
	s10 =	sld [smem:$0x3FBA];
	_ =	sdelay $0x3  }
0x37: {  	[smem:$0x3FBA] =	sst s10  }
0x38: {  	s10 =	sld [smem:$0x3FBB]  }
0x39: {  	_ = 	snop;
	(pc) =	sbr.ind lr, $3  }
0x3a: {  	_ = 	snop  }
0x3b: {  	_ = 	snop  }
0x3c: {  	p2 =	seq.s32 s10, $0x1;
	s10 =	sld [smem:$0x3FBA]  }
0x3d: {  	_ =	shalt  }
0x3e: {  	_ =	shalt  }
0x3f: {  	_ =	shalt  }
0x40: {  	_ =	shalt  }
0x41: {  	_ =	shalt  }
0x42: {  	_ =	shalt  }
0x43: {  	_ =	shalt  }
0x44: {  	_ =	shalt  }
0x45: {  	_ =	shalt  }
0x46: {  	_ =	shalt  }
0x47: {  	_ =	shalt  }
0x48: {  	_ =	shalt  }
0x49: {  	_ =	shalt  }
0x4a: {  	_ =	shalt  }
0x4b: {  	_ =	shalt  }
0x4c: {  	_ =	shalt  }
0x4d: {  	_ =	shalt  }
0x4e: {  	_ =	shalt  }
0x4f: {  	_ =	shalt  }
0x50: {  	_ =	shalt  }
0x51: {  	_ =	shalt  }
0x52: {  	_ =	shalt  }
0x53: {  	_ =	shalt  }
0x54: {  	_ =	shalt  }
0x55: {  	_ =	shalt  }
0x56: {  	_ =	shalt  }
0x57: {  	_ =	shalt  }
0x58: {  	_ =	shalt  }
0x59: {  	_ =	shalt  }
0x5a: {  	_ =	shalt  }
0x5b: {  	_ =	shalt  }
0x5c: {  	_ =	shalt  }
0x5d: {  	_ =	shalt  }
0x5e: {  	_ =	shalt  }
0x5f: {  	_ =	shalt  }
0x60: {  	_ =	shalt  }
0x61: {  	_ =	shalt  }
0x62: {  	_ =	shalt  }
0x63: {  	_ =	shalt  }
0x64: {  	_ =	shalt  }
0x65: {  	_ =	shalt  }
0x66: {  	_ =	shalt  }
0x67: {  	_ =	shalt  }
0x68: {  	_ =	shalt  }
0x69: {  	_ =	shalt  }
0x6a: {  	_ =	shalt  }
0x6b: {  	_ =	shalt  }
0x6c: {  	_ =	shalt  }
0x6d: {  	_ =	shalt  }
0x6e: {  	_ =	shalt  }
0x6f: {  	_ =	shalt  }
0x70: {  	_ =	shalt  }
0x71: {  	_ =	shalt  }
0x72: {  	_ =	shalt  }
0x73: {  	_ =	shalt  }
0x74: {  	_ =	shalt  }
0x75: {  	_ =	shalt  }
0x76: {  	_ =	shalt  }
0x77: {  	_ =	shalt  }
0x78: {  	_ =	shalt  }
0x79: {  	_ =	shalt  }
0x7a: {  	_ =	shalt  }
0x7b: {  	_ =	shalt  }
0x7c: {  	_ =	shalt  }
0x7d: {  	_ =	shalt  }
0x7e: {  	_ =	shalt  }
0x7f: {  	_ =	shalt  }
0x80: {  	_ =	shalt  }
0x81: {  	_ =	shalt  }
0x82: {  	_ =	shalt  }
0x83: {  	_ =	shalt  }
0x84: {  	_ =	shalt  }
0x85: {  	_ =	shalt  }
0x86: {  	_ =	shalt  }
0x87: {  	_ =	shalt  }
.Lfunc_end0:
.L_simem_size_0:
called_computation_lowered:
.L_overlay_start_0:
0x88: {  	s2 =	sld [smem:$0x3FD9]  }
0x89: {  	s3 =	sld [smem:$0x3FFE];
	_ =	sdelay $0x1  }
0x8a: {  	s1 =	srdreg.scid  }
0x8b: {  	s0 =	sand.u32 $0x1, s1  }
0x8c: {  	s17 =	sshll.u32 s0, $0xA;
	s2 =	sadd.s32 s3, s2  }
0x8d: {  	s2 =	sadd.s32 s2, s17  }
0x8e: {  	[smem:$0x3FC6] =	sst s2  }
0x8f: {  	_ = 	snop  }
0x90: {  	s2 =	sld [smem:$0x3FD0];
	(tm) =	ssettm $0x1  }
0x91: {  	s18 =	sld [smem:$0x3FFB];
	_ =	sdelay $0x3  }
0x92: {  	_ =	strace s18  }
0x93: {  	s3 =	sld [smem:$0x3FFC];
	_ =	sdelay $0x3  }
0x94: {  	_ =	strace s3  }
0x95: {  	s3 =	sld [smem:$0x3FFD];
	_ =	sdelay $0x3  }
0x96: {  	_ =	strace s3  }
0x97: {  	_ =	strace $0x8FFFFFFF  }
0x98: {  	s19 =	sld [smem:$0x3FDB];
	_ =	sdelay $0x1  }
0x99: {  	s4 =	simm.s32 $_scs_section_size  }
0x9a: {  	s5 =	simm.s32 $_size__tile_overlayer_lowered;
	s6 =	simm.s32 $_tile_overlayer_lowered  }
0x9b: {  	s22 =	simm.s32 $0x1BFF;
	s21 =	sshll.u32 s6, $0x1;
	s3 =	sadd.s32 s4, s19  }
0x9c: {  	s7 =	simm.s32 $0x0;
	s20 =	sshll.u32 s5, $0x1;
	s5 =	sadd.s32 s21, s3  }
0x9d: {  	[timem:s7], [sflag:s22] =	dma.local [hbm:s5], s20  }
0x9e: {  	_ =	swait.ge [sflag:s22], s20  }
0x9f: {  	s4 =	ssub.s32 $0x0, s20;
	[sflag:s22] =	ssyncset.done $0x0  }
0xa0: {  	[sflag:s22] =	ssyncadd.s32 s4;
	_ =	sdelay $0x1  }
0xa1: {  	s23 =	simm.s32 $0x1B8B  }
0xa2: {  	_ =	swait.ge [sflag:s23], $0x1  }
0xa3: {  	[sflag:s23] =	ssyncset.done $0x0  }
0xa4: {  	s25 =	simm.s32 $0x1B8E;
	s24 =	sld [smem:$0x3FFE];
	[sflag:s23] =	ssyncadd.s32 $0xFFFFFFFF  }
0xa5: {  	s26 =	simm.s32 $execute0_lowered;
	[smem:$0x3FD2] =	sst s25  }
0xa6: {  	s5 =	sshll.u32 s26, $0x1;
	_ =	strace $0x80000046;
	[dreg:$0x1] =	wrdreg $0xFFFFFFFF  }
0xa7: {  	s28 =	simm.s32 $_size_execute0_lowered;
	s3 =	sadd.s32 s3, s5;
	[dreg:$0x0] =	wrdreg $0x0  }
0xa8: {  	s5 =	sshll.u32 s28, $0x1;
	[dreg:$0x2] =	wrdreg s3  }
0xa9: {  	[dreg:$0x3] =	wrdreg s5  }
0xaa: {  	[dreg:$0x4] =	wrdreg $0xC0  }
0xab: {  	_ =	task [dreg:s7], $0x5FFFF  }
0xac: {  	[dreg:$0x1] =	wrdreg $0xFFFFFFFF  }
0xad: {  	[dreg:$0x0] =	wrdreg $0x60  }
0xae: {  	[dreg:$0x2] =	wrdreg s2  }
0xaf: {  	[dreg:$0x3] =	wrdreg s24  }
0xb0: {  	[dreg:$0x4] =	wrdreg $0x9  }
0xb1: {  	_ =	task.clear_ibuf [dreg:s7], $0x5FFFF;
	_ =	strace $0x90000046  }
0xb2: {  	s29 =	simm.s32 $0x9;
	_ =	strace $0x80000048  }
0xb3: {  	_ =	swait.ge [sflag:s29], $0x1  }
0xb4: {  	[sflag:s29] =	ssyncadd.s32 $0xFFFFFFFF  }
0xb5: {  	_ =	strace $0x90000048  }
0xb6: {  	_ =	sfence  }
0xb7: {  	s30 =	sld [smem:$0x0];
	_ =	sdelay $0x2  }
0xb8: {  	s31 =	sshll.u32 s1, $0xD;
	s1 =	sshrl.u32 s1, $0x2  }
0xb9: {  	s3 =	sand.u32 $0x4000, s31;
	s1 =	sadd.s32 s1, s30  }
0xba: {  	s0 =	sor.u32 s3, s0;
	s1 =	sshll.u32 s1, $0x11  }
0xbb: {  	s0 =	sor.u32 s1, s0  }
0xbc: {  	s0 =	sadd.s32 $0x8F2B, s0  }
0xbd: {  	[sflag:s0] =	ssyncadd.remote.s32 $0x1  }
0xbe: {  	_ =	sfence.sel $0xFFFF  }
0xbf: {  	[dreg:$0x0] =	wrdreg $0xFFFFFFFF;
	(pc) =	sbr.abs _section_cstart, $3  }
0xc0: {  	[dreg:$0x1] =	wrdreg $0xFFFFFFFF  }
0xc1: {  	_ =	task.clear_ibuf [dreg:s7], $0x2FFFF;
	_ =	strace $0x9FFFFFFF  }
0xc2: {  	(tm) =	ssettm $0x7FFFFFFF  }
0xc3: {  	_ =	shalt  }
tec
execute0_lowered:
.L_overlay_start_1:
0x0: {  	(tag) =	ssettag $0x1  }
0x1: {  	s6 =	rddreg [dreg:$0x0]  }
0x2: {  	s4 =	rddreg [dreg:$0x1]  }
0x3: {  	s3 =	srdreg.scid;
	s0 =	stileid.u32  }
0x4: {  	s2 =	simm.s32 $0x0;
	s10 =	simm.s32 $0x1900;
	s11 =	simm.s32 $0x3200  }
0x5: {  	s12 =	simm.s32 $0x19C8;
	s13 =	simm.s32 $0x9600;
	s14 =	simm.s32 $0x1  }
0x6: {  	s15 =	simm.s32 $0x2;
	s16 =	simm.s32 $0x0;
	s3 =	sand.u32 $0x1, s3  }
0x7: {  	s5 =	sshll.u32 s0, $0x1;
	[smem:$0x7FF] =	sst s2;
	s7 =	ssub.s32 $0x2, s3  }
0x8: {  	s5 =	sor.u32 s3, s5;
	_ =	strace $0x80000047;
	s3 =	sadd.s32 $0xF42A00, s4  }
0x9: {  	s4 =	sadd.s32 $0x600, s4;
	s8 =	sshrl.u32 s7, $0x1;
	s9 =	smul.u32 $0x320, s5  }
0xa: {  	s5 =	sshll.u32 s5, $0x5;
	s7 =	ssub.s32 s7, s8;
	s8 =	simm.s32 $0x3  }
0xb: {  	s6 =	sadd.s32 s6, s9;
	s7 =	smax.u32 s7, $0x1;
	s9 =	simm.s32 $0xC8  }
.LBB2_1:
0xc: {  	[tilespmem:s2], [sflag:$0x3] =	stream.linear.gather [hbm4b:s6+s2], $0x1900, $0x38;
	[tilespmem:$0x1C200] =	vst v63  }
0xd: {  	_ =	swait.ge [sflag:s8], $0x1900  }
0xe: {  	[sflag:s8] =	ssyncset.done $0x0  }
0xf: {  	s17 =	simm.s32 $0x0;
	[sflag:s8] =	ssyncadd.s32 $0xFFFFE700  }
0x10: {  	s18 =	simm.s32 $0x40;
	v0 =	vld [tilespmem:s17+$0x0]  }
.LBB2_2:
0x11: {  	p0 =	sne.s32 s18, $0x63C0  }
.Ltmp0:
0x12: {  	_ = 	snop;
	(pc) =	sbr.rel @p0 .LBB2_2-.Ltmp0, $3  }
0x13: {  	_ =	sdelay $0x1  }
0x14: {  	s19 =	sshra.s32 s18, $0x2;
	s18 =	sadd.s32 $0x40, s18;
	v1 =	vshrl.u32 v0, $0x1  }
0x15: {  	v0 =	vld [tilespmem:s19+$0x0];
	[tilespmem:s17+$0x1900] =	vst v1;
	s17 =	smov.u32 s19  }
0x16: {  	_ =	sdelay $0x3  }
0x17: {  	v0 =	vshrl.u32 v0, $0x1  }
0x18: {  	[tilespmem:s17+$0x1900] =	vst v0  }
0x19: {  	[tilespmem:s11], [sflag:$0x1] =	stream.indirect.gather [hbm4b:s3+s9], $0x80, s10, s9, $0xb8;
	[tilespmem:$0x1C200] =	vst v63  }
0x1a: {  	s17 =	simm.s32 $0x0  }
0x1b: {  	[tilespmem:s13], [sflag:$0x1] =	stream.indirect.gather [hbm4b:s3+s9], $0x80, s12, s9, $0xb8;
	[tilespmem:$0x1C200] =	vst v63  }
.LBB2_4:
0x1c: {  	s18 =	sand.u32 $0x1, s17;
	_ =	swait.ge [sflag:s14], $0x6400;
	p0 =	slt.u32 s17, $0x2  }
0x1d: {  	s19 =	smul.u32 $0x320, s17;
	p1 =	seq.s32 s18, $0x1;
	[sflag:s14] =	ssyncset.done $0x0  }
0x1e: {  	s18 =	simm.s32 $0x6400;
	s30 =	simm.s32 @!p0 $0x2;
	[sflag:s14] =	ssyncadd.s32 $0xFFFF9C00  }
0x1f: {  	s18 =	simm.s32 @!p1 $0x0;
	s22 =	sshra.s32 s19, $0x2;
	_ =	swait.ge @!p0 [sflag:s30], $0x6400  }
0x20: {  	s20 =	sadd.s32 $0x400, s18;
	s21 =	sadd.s32 $0x480, s18;
	v0 =	vmov s22;
	s22 =	sadd.s32 $0x500, s18  }
0x21: {  	s23 =	sadd.s32 $0x580, s18;
	s24 =	sadd.s32 $0x600, s18;
	v1 =	vmov s18;
	s26 =	sadd.s32 $0x680, s18;
	v2 =	vmov s20;
	v3 =	vmov s21  }
0x22: {  	s28 =	sadd.s32 $0x700, s18;
	s29 =	sadd.s32 $0x780, s18;
	[sflag:s30] =	ssyncset.done @!p0 $0x0;
	v4 =	vmov s22;
	v5 =	vmov s23;
	v6 =	vmov s24  }
0x23: {  	s25 =	sadd.s32 $0x3200, s18;
	v7 =	vmov s26;
	v8 =	vmov s28;
	v9 =	vmov s29;
	[sflag:s30] =	ssyncadd.s32 @!p0 $0xFFFF9C00;
	s30 =	simm.s32 $0x0  }
.LBB2_5:
0x24: {  	s31 =	smin.u32 s30, $0xB8  }
0x25: {  	v10 =	vld.idx.msk [tilespmem:v0+s31+$0x0 ss:$0x1], $0xffff;
	_ =	sdelay $0x4  }
0x26: {  	s31 =	sshll.u32 s31, $0x7;
	v10 =	vshll.u32 v10, $0x6  }
0x27: {  	s0 =	sadd.s32 s18, s31;
	v10 =	vand.u32 $0x40, v10  }
0x28: {  	v11 =	vadd.s32 s0, v10  }
0x29: {  	(v2sf) =	vpush v11, $0x0;
	_ =	sdelay $0xe  }
0x2a: {  	s1 =	spop (v2sf)  }
0x2b: {  	v12 =	vld [tilespmem:s1+$0x3200];
	_ =	sdelay $0x4  }
0x2c: {  	v12 =	vmul.f32 $8.000000000e+00, v12;
	_ =	sdelay $0x1  }
0x2d: {  	[tilespmem:v1+s31+$0xFA00 ss:$0x1] =	vst.idx.msk $0xffff, v12  }
0x2e: {  	v12 =	vld [tilespmem:s1+$0x3210];
	_ =	sdelay $0x4  }
0x2f: {  	v12 =	vmul.f32 $8.000000000e+00, v12;
	_ =	sdelay $0x1  }
0x30: {  	[tilespmem:v1+s31+$0xFA10 ss:$0x1] =	vst.idx.msk $0xffff, v12  }
0x31: {  	(v2sf) =	vpush v11, $0x1;
	v12 =	vld [tilespmem:s1+$0x3220];
	_ =	sdelay $0x4  }
0x32: {  	v12 =	vmul.f32 $8.000000000e+00, v12;
	_ =	sdelay $0x1  }
0x33: {  	[tilespmem:v1+s31+$0xFA20 ss:$0x1] =	vst.idx.msk $0xffff, v12  }
0x34: {  	v12 =	vld [tilespmem:s1+$0x3230];
	_ =	sdelay $0x4  }
0x35: {  	v12 =	vmul.f32 $8.000000000e+00, v12;
	_ =	sdelay $0x1  }
0x36: {  	s1 =	spop (v2sf);
	[tilespmem:v1+s31+$0xFA30 ss:$0x1] =	vst.idx.msk $0xffff, v12  }
0x37: {  	v12 =	vld [tilespmem:s1+$0x3280];
	_ =	sdelay $0x4  }
0x38: {  	v12 =	vmul.f32 $8.000000000e+00, v12;
	_ =	sdelay $0x1  }
0x39: {  	[tilespmem:v1+s31+$0xFA80 ss:$0x1] =	vst.idx.msk $0xffff, v12  }
0x3a: {  	v12 =	vld [tilespmem:s1+$0x3290];
	_ =	sdelay $0x4  }
0x3b: {  	v12 =	vmul.f32 $8.000000000e+00, v12;
	_ =	sdelay $0x1  }
0x3c: {  	(v2sf) =	vpush v11, $0x3;
	[tilespmem:v1+s31+$0xFA90 ss:$0x1] =	vst.idx.msk $0xffff, v12  }
0x3d: {  	(v2sf) =	vpush v11, $0x2;
	v12 =	vld [tilespmem:s1+$0x32A0];
	_ =	sdelay $0x4  }
0x3e: {  	v12 =	vmul.f32 $8.000000000e+00, v12;
	_ =	sdelay $0x1  }
0x3f: {  	[tilespmem:v1+s31+$0xFAA0 ss:$0x1] =	vst.idx.msk $0xffff, v12  }
0x40: {  	v12 =	vld [tilespmem:s1+$0x32B0];
	_ =	sdelay $0x4  }
0x41: {  	v12 =	vmul.f32 $8.000000000e+00, v12  }
0x42: {  	s0 =	spop (v2sf)  }
0x43: {  	s1 =	spop (v2sf);
	[tilespmem:v1+s31+$0xFAB0 ss:$0x1] =	vst.idx.msk $0xffff, v12  }
0x44: {  	v12 =	vld [tilespmem:s1+$0x3300];
	_ =	sdelay $0x4  }
0x45: {  	v12 =	vmul.f32 $8.000000000e+00, v12;
	_ =	sdelay $0x1  }
0x46: {  	[tilespmem:v1+s31+$0xFB00 ss:$0x1] =	vst.idx.msk $0xffff, v12  }
0x47: {  	v12 =	vld [tilespmem:s1+$0x3310];
	_ =	sdelay $0x4  }
0x48: {  	v12 =	vmul.f32 $8.000000000e+00, v12;
	_ =	sdelay $0x1  }
0x49: {  	[tilespmem:v1+s31+$0xFB10 ss:$0x1] =	vst.idx.msk $0xffff, v12  }
0x4a: {  	v12 =	vld [tilespmem:s1+$0x3320];
	_ =	sdelay $0x4  }
0x4b: {  	v12 =	vmul.f32 $8.000000000e+00, v12;
	_ =	sdelay $0x1  }
0x4c: {  	[tilespmem:v1+s31+$0xFB20 ss:$0x1] =	vst.idx.msk $0xffff, v12  }
0x4d: {  	v12 =	vld [tilespmem:s1+$0x3330];
	_ =	sdelay $0x4  }
0x4e: {  	v12 =	vmul.f32 $8.000000000e+00, v12;
	_ =	sdelay $0x1  }
0x4f: {  	[tilespmem:v1+s31+$0xFB30 ss:$0x1] =	vst.idx.msk $0xffff, v12  }
0x50: {  	v12 =	vld [tilespmem:s0+$0x3380];
	_ =	sdelay $0x4  }
0x51: {  	v12 =	vmul.f32 $8.000000000e+00, v12;
	_ =	sdelay $0x1  }
0x52: {  	[tilespmem:v1+s31+$0xFB80 ss:$0x1] =	vst.idx.msk $0xffff, v12  }
0x53: {  	v12 =	vld [tilespmem:s0+$0x3390];
	_ =	sdelay $0x4  }
0x54: {  	v12 =	vmul.f32 $8.000000000e+00, v12;
	_ =	sdelay $0x1  }
0x55: {  	(v2sf) =	vpush v11, $0x5;
	[tilespmem:v1+s31+$0xFB90 ss:$0x1] =	vst.idx.msk $0xffff, v12  }
0x56: {  	(v2sf) =	vpush v11, $0x4;
	v12 =	vld [tilespmem:s0+$0x33A0];
	_ =	sdelay $0x4  }
0x57: {  	v12 =	vmul.f32 $8.000000000e+00, v12;
	_ =	sdelay $0x1  }
0x58: {  	[tilespmem:v1+s31+$0xFBA0 ss:$0x1] =	vst.idx.msk $0xffff, v12  }
0x59: {  	v12 =	vld [tilespmem:s0+$0x33B0];
	_ =	sdelay $0x4  }
0x5a: {  	v12 =	vmul.f32 $8.000000000e+00, v12  }
0x5b: {  	s0 =	spop (v2sf)  }
0x5c: {  	s1 =	spop (v2sf);
	[tilespmem:v1+s31+$0xFBB0 ss:$0x1] =	vst.idx.msk $0xffff, v12  }
0x5d: {  	v12 =	vld [tilespmem:s1+$0x3400];
	_ =	sdelay $0x4  }
0x5e: {  	v12 =	vmul.f32 $8.000000000e+00, v12;
	_ =	sdelay $0x1  }
0x5f: {  	[tilespmem:v1+s31+$0xFC00 ss:$0x1] =	vst.idx.msk $0xffff, v12  }
0x60: {  	v12 =	vld [tilespmem:s1+$0x3410];
	_ =	sdelay $0x4  }
0x61: {  	v12 =	vmul.f32 $8.000000000e+00, v12;
	_ =	sdelay $0x1  }
0x62: {  	[tilespmem:v1+s31+$0xFC10 ss:$0x1] =	vst.idx.msk $0xffff, v12  }
0x63: {  	v12 =	vld [tilespmem:s1+$0x3420];
	_ =	sdelay $0x4  }
0x64: {  	v12 =	vmul.f32 $8.000000000e+00, v12;
	_ =	sdelay $0x1  }
0x65: {  	[tilespmem:v1+s31+$0xFC20 ss:$0x1] =	vst.idx.msk $0xffff, v12  }
0x66: {  	v12 =	vld [tilespmem:s1+$0x3430];
	_ =	sdelay $0x4  }
0x67: {  	v12 =	vmul.f32 $8.000000000e+00, v12;
	_ =	sdelay $0x1  }
0x68: {  	[tilespmem:v1+s31+$0xFC30 ss:$0x1] =	vst.idx.msk $0xffff, v12  }
0x69: {  	v12 =	vld [tilespmem:s0+$0x3480];
	_ =	sdelay $0x4  }
0x6a: {  	v12 =	vmul.f32 $8.000000000e+00, v12;
	_ =	sdelay $0x1  }
0x6b: {  	[tilespmem:v1+s31+$0xFC80 ss:$0x1] =	vst.idx.msk $0xffff, v12  }
0x6c: {  	v12 =	vld [tilespmem:s0+$0x3490];
	_ =	sdelay $0x4  }
0x6d: {  	v12 =	vmul.f32 $8.000000000e+00, v12;
	_ =	sdelay $0x1  }
0x6e: {  	(v2sf) =	vpush v11, $0x7;
	[tilespmem:v1+s31+$0xFC90 ss:$0x1] =	vst.idx.msk $0xffff, v12  }
0x6f: {  	(v2sf) =	vpush v11, $0x6;
	v12 =	vld [tilespmem:s0+$0x34A0];
	_ =	sdelay $0x4  }
0x70: {  	v11 =	vmul.f32 $8.000000000e+00, v12;
	_ =	sdelay $0x1  }
0x71: {  	[tilespmem:v1+s31+$0xFCA0 ss:$0x1] =	vst.idx.msk $0xffff, v11  }
0x72: {  	v11 =	vld [tilespmem:s0+$0x34B0];
	_ =	sdelay $0x4  }
0x73: {  	v11 =	vmul.f32 $8.000000000e+00, v11  }
0x74: {  	s0 =	spop (v2sf)  }
0x75: {  	s1 =	spop (v2sf);
	[tilespmem:v1+s31+$0xFCB0 ss:$0x1] =	vst.idx.msk $0xffff, v11  }
0x76: {  	v11 =	vld [tilespmem:s1+$0x3500];
	_ =	sdelay $0x4  }
0x77: {  	v11 =	vmul.f32 $8.000000000e+00, v11;
	_ =	sdelay $0x1  }
0x78: {  	[tilespmem:v1+s31+$0xFD00 ss:$0x1] =	vst.idx.msk $0xffff, v11  }
0x79: {  	v11 =	vld [tilespmem:s1+$0x3510];
	_ =	sdelay $0x4  }
0x7a: {  	v11 =	vmul.f32 $8.000000000e+00, v11;
	_ =	sdelay $0x1  }
0x7b: {  	[tilespmem:v1+s31+$0xFD10 ss:$0x1] =	vst.idx.msk $0xffff, v11  }
0x7c: {  	v11 =	vld [tilespmem:s1+$0x3520];
	_ =	sdelay $0x4  }
0x7d: {  	v11 =	vmul.f32 $8.000000000e+00, v11;
	_ =	sdelay $0x1  }
0x7e: {  	[tilespmem:v1+s31+$0xFD20 ss:$0x1] =	vst.idx.msk $0xffff, v11  }
0x7f: {  	v11 =	vld [tilespmem:s1+$0x3530];
	_ =	sdelay $0x4  }
0x80: {  	v11 =	vmul.f32 $8.000000000e+00, v11;
	_ =	sdelay $0x1  }
0x81: {  	[tilespmem:v1+s31+$0xFD30 ss:$0x1] =	vst.idx.msk $0xffff, v11  }
0x82: {  	v11 =	vld [tilespmem:s0+$0x3580];
	_ =	sdelay $0x4  }
0x83: {  	v11 =	vmul.f32 $8.000000000e+00, v11;
	_ =	sdelay $0x1  }
0x84: {  	[tilespmem:v1+s31+$0xFD80 ss:$0x1] =	vst.idx.msk $0xffff, v11  }
0x85: {  	v11 =	vld [tilespmem:s0+$0x3590];
	_ =	sdelay $0x4  }
0x86: {  	v11 =	vmul.f32 $8.000000000e+00, v11;
	_ =	sdelay $0x1  }
0x87: {  	(v2sf) =	vpush v10, $0x8;
	[tilespmem:v1+s31+$0xFD90 ss:$0x1] =	vst.idx.msk $0xffff, v11  }
0x88: {  	v11 =	vld [tilespmem:s0+$0x35A0];
	_ =	sdelay $0x4  }
0x89: {  	v11 =	vmul.f32 $8.000000000e+00, v11;
	_ =	sdelay $0x1  }
0x8a: {  	[tilespmem:v1+s31+$0xFDA0 ss:$0x1] =	vst.idx.msk $0xffff, v11  }
0x8b: {  	v11 =	vld [tilespmem:s0+$0x35B0];
	_ =	sdelay $0x4  }
0x8c: {  	v11 =	vmul.f32 $8.000000000e+00, v11  }
0x8d: {  	s1 =	sadd.s32 s31, s20;
	s0 =	spop (v2sf)  }
0x8e: {  	s0 =	sadd.s32 s0, s1;
	[tilespmem:v1+s31+$0xFDB0 ss:$0x1] =	vst.idx.msk $0xffff, v11  }
0x8f: {  	v11 =	vld [tilespmem:s0+$0x3200];
	_ =	sdelay $0x4  }
0x90: {  	v11 =	vmul.f32 $8.000000000e+00, v11;
	_ =	sdelay $0x1  }
0x91: {  	[tilespmem:v2+s31+$0xFA00 ss:$0x1] =	vst.idx.msk $0xffff, v11  }
0x92: {  	v11 =	vld [tilespmem:s0+$0x3210];
	_ =	sdelay $0x4  }
0x93: {  	v11 =	vmul.f32 $8.000000000e+00, v11;
	_ =	sdelay $0x1  }
0x94: {  	(v2sf) =	vpush v10, $0x9;
	[tilespmem:v2+s31+$0xFA10 ss:$0x1] =	vst.idx.msk $0xffff, v11  }
0x95: {  	v11 =	vld [tilespmem:s0+$0x3220];
	_ =	sdelay $0x4  }
0x96: {  	v11 =	vmul.f32 $8.000000000e+00, v11;
	_ =	sdelay $0x1  }
0x97: {  	[tilespmem:v2+s31+$0xFA20 ss:$0x1] =	vst.idx.msk $0xffff, v11  }
0x98: {  	v11 =	vld [tilespmem:s0+$0x3230];
	_ =	sdelay $0x4  }
0x99: {  	v11 =	vmul.f32 $8.000000000e+00, v11  }
0x9a: {  	s1 =	sadd.s32 s31, s21;
	s0 =	spop (v2sf)  }
0x9b: {  	s0 =	sadd.s32 s0, s1;
	[tilespmem:v2+s31+$0xFA30 ss:$0x1] =	vst.idx.msk $0xffff, v11  }
0x9c: {  	v11 =	vld [tilespmem:s0+$0x3200];
	_ =	sdelay $0x4  }
0x9d: {  	v11 =	vmul.f32 $8.000000000e+00, v11;
	_ =	sdelay $0x1  }
0x9e: {  	[tilespmem:v3+s31+$0xFA00 ss:$0x1] =	vst.idx.msk $0xffff, v11  }
0x9f: {  	v11 =	vld [tilespmem:s0+$0x3210];
	_ =	sdelay $0x4  }
0xa0: {  	v11 =	vmul.f32 $8.000000000e+00, v11;
	_ =	sdelay $0x1  }
0xa1: {  	(v2sf) =	vpush v10, $0xA;
	[tilespmem:v3+s31+$0xFA10 ss:$0x1] =	vst.idx.msk $0xffff, v11  }
0xa2: {  	v11 =	vld [tilespmem:s0+$0x3220];
	_ =	sdelay $0x4  }
0xa3: {  	v11 =	vmul.f32 $8.000000000e+00, v11;
	_ =	sdelay $0x1  }
0xa4: {  	[tilespmem:v3+s31+$0xFA20 ss:$0x1] =	vst.idx.msk $0xffff, v11  }
0xa5: {  	v11 =	vld [tilespmem:s0+$0x3230];
	_ =	sdelay $0x4  }
0xa6: {  	v11 =	vmul.f32 $8.000000000e+00, v11  }
0xa7: {  	s1 =	sadd.s32 s31, s22;
	s0 =	spop (v2sf)  }
0xa8: {  	s0 =	sadd.s32 s0, s1;
	[tilespmem:v3+s31+$0xFA30 ss:$0x1] =	vst.idx.msk $0xffff, v11  }
0xa9: {  	v11 =	vld [tilespmem:s0+$0x3200];
	_ =	sdelay $0x4  }
0xaa: {  	v11 =	vmul.f32 $8.000000000e+00, v11;
	_ =	sdelay $0x1  }
0xab: {  	[tilespmem:v4+s31+$0xFA00 ss:$0x1] =	vst.idx.msk $0xffff, v11  }
0xac: {  	v11 =	vld [tilespmem:s0+$0x3210];
	_ =	sdelay $0x4  }
0xad: {  	v11 =	vmul.f32 $8.000000000e+00, v11;
	_ =	sdelay $0x1  }
0xae: {  	(v2sf) =	vpush v10, $0xB;
	[tilespmem:v4+s31+$0xFA10 ss:$0x1] =	vst.idx.msk $0xffff, v11  }
0xaf: {  	v11 =	vld [tilespmem:s0+$0x3220];
	_ =	sdelay $0x4  }
0xb0: {  	v11 =	vmul.f32 $8.000000000e+00, v11;
	_ =	sdelay $0x1  }
0xb1: {  	[tilespmem:v4+s31+$0xFA20 ss:$0x1] =	vst.idx.msk $0xffff, v11  }
0xb2: {  	v11 =	vld [tilespmem:s0+$0x3230];
	_ =	sdelay $0x4  }
0xb3: {  	v11 =	vmul.f32 $8.000000000e+00, v11  }
0xb4: {  	s1 =	sadd.s32 s31, s23;
	s0 =	spop (v2sf)  }
0xb5: {  	s0 =	sadd.s32 s0, s1;
	[tilespmem:v4+s31+$0xFA30 ss:$0x1] =	vst.idx.msk $0xffff, v11  }
0xb6: {  	v11 =	vld [tilespmem:s0+$0x3200];
	_ =	sdelay $0x4  }
0xb7: {  	v11 =	vmul.f32 $8.000000000e+00, v11;
	_ =	sdelay $0x1  }
0xb8: {  	[tilespmem:v5+s31+$0xFA00 ss:$0x1] =	vst.idx.msk $0xffff, v11  }
0xb9: {  	v11 =	vld [tilespmem:s0+$0x3210];
	_ =	sdelay $0x4  }
0xba: {  	v11 =	vmul.f32 $8.000000000e+00, v11;
	_ =	sdelay $0x1  }
0xbb: {  	(v2sf) =	vpush v10, $0xC;
	[tilespmem:v5+s31+$0xFA10 ss:$0x1] =	vst.idx.msk $0xffff, v11  }
0xbc: {  	v11 =	vld [tilespmem:s0+$0x3220];
	_ =	sdelay $0x4  }
0xbd: {  	v11 =	vmul.f32 $8.000000000e+00, v11;
	_ =	sdelay $0x1  }
0xbe: {  	[tilespmem:v5+s31+$0xFA20 ss:$0x1] =	vst.idx.msk $0xffff, v11  }
0xbf: {  	v11 =	vld [tilespmem:s0+$0x3230];
	_ =	sdelay $0x4  }
0xc0: {  	v11 =	vmul.f32 $8.000000000e+00, v11  }
0xc1: {  	s1 =	sadd.s32 s31, s24;
	s0 =	spop (v2sf)  }
0xc2: {  	s0 =	sadd.s32 s0, s1;
	[tilespmem:v5+s31+$0xFA30 ss:$0x1] =	vst.idx.msk $0xffff, v11  }
0xc3: {  	v11 =	vld [tilespmem:s0+$0x3200];
	_ =	sdelay $0x4  }
0xc4: {  	v11 =	vmul.f32 $8.000000000e+00, v11;
	_ =	sdelay $0x1  }
0xc5: {  	[tilespmem:v6+s31+$0xFA00 ss:$0x1] =	vst.idx.msk $0xffff, v11  }
0xc6: {  	v11 =	vld [tilespmem:s0+$0x3210];
	_ =	sdelay $0x4  }
0xc7: {  	v11 =	vmul.f32 $8.000000000e+00, v11;
	_ =	sdelay $0x1  }
0xc8: {  	(v2sf) =	vpush v10, $0xD;
	[tilespmem:v6+s31+$0xFA10 ss:$0x1] =	vst.idx.msk $0xffff, v11  }
0xc9: {  	v11 =	vld [tilespmem:s0+$0x3220];
	_ =	sdelay $0x4  }
0xca: {  	v11 =	vmul.f32 $8.000000000e+00, v11;
	_ =	sdelay $0x1  }
0xcb: {  	[tilespmem:v6+s31+$0xFA20 ss:$0x1] =	vst.idx.msk $0xffff, v11  }
0xcc: {  	v11 =	vld [tilespmem:s0+$0x3230];
	_ =	sdelay $0x4  }
0xcd: {  	v11 =	vmul.f32 $8.000000000e+00, v11  }
0xce: {  	s1 =	sadd.s32 s31, s26;
	s0 =	spop (v2sf)  }
0xcf: {  	s0 =	sadd.s32 s0, s1;
	[tilespmem:v6+s31+$0xFA30 ss:$0x1] =	vst.idx.msk $0xffff, v11  }
0xd0: {  	v11 =	vld [tilespmem:s0+$0x3200];
	_ =	sdelay $0x4  }
0xd1: {  	v11 =	vmul.f32 $8.000000000e+00, v11;
	_ =	sdelay $0x1  }
0xd2: {  	[tilespmem:v7+s31+$0xFA00 ss:$0x1] =	vst.idx.msk $0xffff, v11  }
0xd3: {  	v11 =	vld [tilespmem:s0+$0x3210];
	_ =	sdelay $0x4  }
0xd4: {  	v11 =	vmul.f32 $8.000000000e+00, v11;
	_ =	sdelay $0x1  }
0xd5: {  	(v2sf) =	vpush v10, $0xE;
	[tilespmem:v7+s31+$0xFA10 ss:$0x1] =	vst.idx.msk $0xffff, v11  }
0xd6: {  	v11 =	vld [tilespmem:s0+$0x3220];
	_ =	sdelay $0x4  }
0xd7: {  	v11 =	vmul.f32 $8.000000000e+00, v11;
	_ =	sdelay $0x1  }
0xd8: {  	[tilespmem:v7+s31+$0xFA20 ss:$0x1] =	vst.idx.msk $0xffff, v11  }
0xd9: {  	v11 =	vld [tilespmem:s0+$0x3230];
	_ =	sdelay $0x4  }
0xda: {  	v11 =	vmul.f32 $8.000000000e+00, v11  }
0xdb: {  	s1 =	sadd.s32 s31, s28;
	s0 =	spop (v2sf)  }
0xdc: {  	s0 =	sadd.s32 s0, s1;
	[tilespmem:v7+s31+$0xFA30 ss:$0x1] =	vst.idx.msk $0xffff, v11  }
0xdd: {  	v11 =	vld [tilespmem:s0+$0x3200];
	_ =	sdelay $0x4  }
0xde: {  	v11 =	vmul.f32 $8.000000000e+00, v11;
	_ =	sdelay $0x1  }
0xdf: {  	[tilespmem:v8+s31+$0xFA00 ss:$0x1] =	vst.idx.msk $0xffff, v11  }
0xe0: {  	v11 =	vld [tilespmem:s0+$0x3210];
	_ =	sdelay $0x4  }
0xe1: {  	v11 =	vmul.f32 $8.000000000e+00, v11;
	_ =	sdelay $0x1  }
0xe2: {  	(v2sf) =	vpush v10, $0xF;
	[tilespmem:v8+s31+$0xFA10 ss:$0x1] =	vst.idx.msk $0xffff, v11  }
0xe3: {  	v10 =	vld [tilespmem:s0+$0x3220];
	_ =	sdelay $0x4  }
0xe4: {  	v10 =	vmul.f32 $8.000000000e+00, v10;
	_ =	sdelay $0x1  }
0xe5: {  	[tilespmem:v8+s31+$0xFA20 ss:$0x1] =	vst.idx.msk $0xffff, v10  }
0xe6: {  	v10 =	vld [tilespmem:s0+$0x3230];
	_ =	sdelay $0x4  }
0xe7: {  	v10 =	vmul.f32 $8.000000000e+00, v10  }
0xe8: {  	s1 =	sadd.s32 s31, s29;
	s0 =	spop (v2sf)  }
0xe9: {  	s0 =	sadd.s32 s0, s1;
	[tilespmem:v8+s31+$0xFA30 ss:$0x1] =	vst.idx.msk $0xffff, v10  }
0xea: {  	v10 =	vld [tilespmem:s0+$0x3200];
	_ =	sdelay $0x4  }
0xeb: {  	v10 =	vmul.f32 $8.000000000e+00, v10;
	_ =	sdelay $0x1  }
0xec: {  	[tilespmem:v9+s31+$0xFA00 ss:$0x1] =	vst.idx.msk $0xffff, v10  }
0xed: {  	v10 =	vld [tilespmem:s0+$0x3210];
	_ =	sdelay $0x4  }
0xee: {  	v10 =	vmul.f32 $8.000000000e+00, v10;
	_ =	sdelay $0x1  }
0xef: {  	[tilespmem:v9+s31+$0xFA10 ss:$0x1] =	vst.idx.msk $0xffff, v10  }
0xf0: {  	v10 =	vld [tilespmem:s0+$0x3220];
	_ =	sdelay $0x4  }
0xf1: {  	v10 =	vmul.f32 $8.000000000e+00, v10;
	_ =	sdelay $0x1  }
0xf2: {  	[tilespmem:v9+s31+$0xFA20 ss:$0x1] =	vst.idx.msk $0xffff, v10  }
0xf3: {  	v10 =	vld [tilespmem:s0+$0x3230];
	_ =	sdelay $0x1  }
0xf4: {  	p0 =	sne.s32 s30, $0xC0  }
.Ltmp1:
0xf5: {  	_ = 	snop;
	(pc) =	sbr.rel @p0 .LBB2_5-.Ltmp1, $3  }
0xf6: {  	_ = 	snop  }
0xf7: {  	v10 =	vmul.f32 $8.000000000e+00, v10;
	_ =	sdelay $0x1  }
0xf8: {  	s30 =	sadd.s32 $0x10, s30;
	[tilespmem:v9+s31+$0xFA30 ss:$0x1] =	vst.idx.msk $0xffff, v10  }
0xf9: {  	p0 =	sgt.u32 s17, $0x1D  }
0xfa: {  	s1 =	sadd.s32 s5, s17;
	s0 =	sshra.s32 @!p0 s19, $0x2  }
0xfb: {  	s17 =	sadd.s32 $0x1, s17;
	s19 =	simm.s32 @!p0 $0xC8;
	s0 =	sadd.s32 @!p0 $0x1A90, s0  }
0xfc: {  	[tilespmem:s25], [sflag:$0x1] =	stream.indirect.gather @!p0 [hbm4b:s3+s19], $0x80, s0, s19, $0xb8;
	[tilespmem:$0x1C200] =	vst v63  }
0xfd: {  	p0 =	sne.s32 s17, $0x20  }
.Ltmp2:
0xfe: {  	_ = 	snop;
	(pc) =	sbr.rel @p0 .LBB2_4-.Ltmp2, $3  }
0xff: {  	s1 =	smul.u32 $0xC80, s1;
	_ =	sdelay $0x1  }
0x100: {  	s31 =	sadd.s32 $0xFA00, s18;
	s30 =	sadd.s32 s4, s1  }
0x101: {  	[hbm4b:s30+s2] =	stream.linear.scatter [tilespmem:s31], [sflag:$0x2], $0x6400, $0x38;
	[tilespmem:$0x1C200] =	vst v63  }
0x102: {  	s16 =	sadd.s32 $0x1, s16  }
0x103: {  	_ =	swait.ge [sflag:s15], $0x6400;
	p0 =	sne.s32 s16, s7  }
.Ltmp3:
0x104: {  	[sflag:s15] =	ssyncset.done $0x0;
	(pc) =	sbr.rel @p0 .LBB2_1-.Ltmp3, $4  }
0x105: {  	[sflag:s15] =	ssyncadd.s32 $0xFFFF9C00  }
0x106: {  	_ =	swait.ge [sflag:s15], $0x6400  }
0x107: {  	[sflag:s15] =	ssyncset.done $0x0  }
0x108: {  	[sflag:s15] =	ssyncadd.s32 $0xFFFF9C00  }
0x109: {  	_ =	sfence.sel $0x180000  }
0x10a: {  	[bflag:$0x0] =	sbarrier.arrive $0xFFFF  }
0x10b: {  	_ =	strace $0x90000047  }
0x10c: {  	s0 =	stileid.u32;
	[bflag:$0x2] =	sbarrier.arrive $0xFFFF  }
0x10d: {  	p0 =	sne.s32 s0, $0x0;
	s0 =	rddreg [dreg:$0x2]  }
0x10e: {  	s0 =	sadd.s32 @!p0 $0x100000, s0  }
0x10f: {  	[sflag:s0] =	ssyncadd.tile.s32 @!p0 $0x1;
	_ =	shalt  }
.Lfunc_end2:
_tile_overlayer_lowered:
.L_overlay_start_2:
0x110: {  	(tag) =	ssettag $0x2  }
0x111: {  	s0 =	rddreg [dreg:$0x0];
	s2 =	stileid.u32  }
0x112: {  	s1 =	rddreg [dreg:$0x1];
	p0 =	sne.s32 s2, $0x0  }
0x113: {  	s3 =	rddreg [dreg:$0x2];
	[bflag:$0x3] =	sbarrier.arrive $0xFFFF;
	s2 =	simm.s32 @!p0 $0x1C03  }
0x114: {  	[timem:s3], [sflag:s2] =	dma.local @!p0 [hbm:s0], s1  }
0x115: {  	s0 =	simm.s32 @!p0 $0x3  }
0x116: {  	_ =	swait.ge @!p0 [sflag:s0], s1  }
0x117: {  	s1 =	ssub.s32 @!p0 $0x0, s1;
	[sflag:s0] =	ssyncset.done @!p0 $0x0  }
0x118: {  	[sflag:s0] =	ssyncadd.s32 @!p0 s1  }
0x119: {  	[bflag:$0x3] =	sbarrier.arrive $0xFFFF  }
0x11a: {  	_ =	shalt  }

</sc_bundles>
